<compile_context>
chip_gen: v7x
topology: tpu7x:2x2x1
jax: 0.10.2.dev20260603
libtpu: 0.0.44.dev20260713+nightly
codegen_flags: <defaults>
</compile_context>

<pallas_src>
import functools

import jax
import jax.numpy as jnp
from jax import lax
from jax.experimental import pallas as pl
from jax.experimental.pallas import tpu as pltpu
from jax.experimental.pallas import tpu_sc as plsc

N_NODES = 10000
N_EDGES = 320000
D_FEAT = 128
N_FILTERS = 128
N_RBF = 20

_LOG2 = 0.6931471805599453

_NC = 2
_NS = 16
_NW = _NC * _NS
_CHUNK = 64
_NCHUNKS = N_EDGES // _CHUNK
_N_PAD = 10240
_ROWS_PER_TILE = _N_PAD // _NS


def _ssp(v):
    return jax.nn.softplus(v) - _LOG2


def _h_body(x_ref, w_ref, o_ref):
    o_ref[...] = jnp.dot(x_ref[...], w_ref[...],
                         preferred_element_type=jnp.float32)


def _input_to_feature(x, w_in):
    rb = 1000
    return pl.pallas_call(
        _h_body,
        grid=(N_NODES // rb,),
        in_specs=[
            pl.BlockSpec((rb, D_FEAT), lambda i: (i, 0)),
            pl.BlockSpec((D_FEAT, N_FILTERS), lambda i: (0, 0)),
        ],
        out_specs=pl.BlockSpec((rb, N_FILTERS), lambda i: (i, 0)),
        out_shape=jax.ShapeDtypeStruct((N_NODES, N_FILTERS), jnp.float32),
    )(x, w_in)


def _filter_body(f_ref, c_ref, w1_ref, b1_ref, w2_ref, b2_ref, o_ref):
    t = jnp.dot(f_ref[...], w1_ref[...], preferred_element_type=jnp.float32)
    t = _ssp(t + b1_ref[...])
    t = jnp.dot(t, w2_ref[...], preferred_element_type=jnp.float32)
    o_ref[...] = (t + b2_ref[...]) * c_ref[...]


def _filter_network(f2d, cutoff, wf1, bf1, wf2, bf2):
    be = 4000
    return pl.pallas_call(
        _filter_body,
        grid=(N_EDGES // be,),
        in_specs=[
            pl.BlockSpec((be, N_RBF), lambda i: (i, 0)),
            pl.BlockSpec((be, 1), lambda i: (i, 0)),
            pl.BlockSpec((N_RBF, N_FILTERS), lambda i: (0, 0)),
            pl.BlockSpec((1, N_FILTERS), lambda i: (0, 0)),
            pl.BlockSpec((N_FILTERS, N_FILTERS), lambda i: (0, 0)),
            pl.BlockSpec((1, N_FILTERS), lambda i: (0, 0)),
        ],
        out_specs=pl.BlockSpec((be, N_FILTERS), lambda i: (i, 0)),
        out_shape=jax.ShapeDtypeStruct((N_EDGES, N_FILTERS), jnp.float32),
    )(f2d, cutoff, wf1, bf1, wf2, bf2)


_NB = (_NCHUNKS // _NW) & ~1
_NTAIL = _NCHUNKS - _NB * _NW
assert _NTAIL <= _NW


def _sc_body(h_hbm, wij_hbm, pair_hbm, zeros_hbm, out0_hbm, out1_hbm,
             idxj_v0, idxi_v0, rows_v0, wij_v0,
             idxj_v1, idxi_v1, rows_v1, wij_v1,
             acc_sh,
             semj0, semi0, semw0, semg0, sems0,
             semj1, semi1, semw1, semg1, sems1):
    c = lax.axis_index("c")
    s = lax.axis_index("s")
    wid = c * _NS + s

    slot0 = (idxj_v0, idxi_v0, rows_v0, wij_v0, semj0, semi0, semw0, semg0, sems0)
    slot1 = (idxj_v1, idxi_v1, rows_v1, wij_v1, semj1, semi1, semw1, semg1, sems1)

    pltpu.sync_copy(zeros_hbm, acc_sh.at[pl.ds(s * _ROWS_PER_TILE, _ROWS_PER_TILE)])
    plsc.subcore_barrier()

    def start_fetch(t, slot):
        idxj_v, idxi_v, rows_v, wij_v, semj, semi, semw, semg, sems = slot
        base = (wid + t * _NW) * _CHUNK
        pltpu.async_copy(pair_hbm.at[pl.ds(N_EDGES + base, _CHUNK)], idxj_v, semj)
        pltpu.async_copy(pair_hbm.at[pl.ds(base, _CHUNK)], idxi_v, semi)
        pltpu.async_copy(wij_hbm.at[pl.ds(base, _CHUNK)], wij_v, semw)

    def wait_scatter(slot):
        idxj_v, idxi_v, rows_v, wij_v, semj, semi, semw, semg, sems = slot
        pltpu.make_async_copy(rows_v, acc_sh.at[idxi_v], sems).wait()

    def wait_fetch_j(slot):
        idxj_v, idxi_v, rows_v, wij_v, semj, semi, semw, semg, sems = slot
        pltpu.make_async_copy(pair_hbm.at[pl.ds(0, _CHUNK)], idxj_v, semj).wait()

    def gather(slot):
        idxj_v, idxi_v, rows_v, wij_v, semj, semi, semw, semg, sems = slot
        pltpu.async_copy(h_hbm.at[idxj_v], rows_v, semg)

    def wait_gather(slot):
        idxj_v, idxi_v, rows_v, wij_v, semj, semi, semw, semg, sems = slot
        pltpu.make_async_copy(h_hbm.at[idxj_v], rows_v, semg).wait()

    def mul_scatter(slot):
        idxj_v, idxi_v, rows_v, wij_v, semj, semi, semw, semg, sems = slot
        pltpu.make_async_copy(wij_hbm.at[pl.ds(0, _CHUNK)], wij_v, semw).wait()

        @plsc.parallel_loop(0, _CHUNK, unroll=4)
        def _rows(r):
            for q in range(D_FEAT // 16):
                sl = pl.ds(q * 16, 16)
                rows_v[r, sl] = rows_v[r, sl] * wij_v[r, sl]

        pltpu.make_async_copy(pair_hbm.at[pl.ds(0, _CHUNK)], idxi_v, semi).wait()
        pltpu.async_copy(rows_v, acc_sh.at[idxi_v], sems, add=True)

    start_fetch(0, slot0)
    wait_fetch_j(slot0)
    gather(slot0)

    @pl.loop(0, _NB // 2)
    def _pairs(p):
        @pl.when(p > 0)
        def _():
            wait_scatter(slot1)

        start_fetch(2 * p + 1, slot1)
        wait_gather(slot0)
        wait_fetch_j(slot1)
        gather(slot1)
        mul_scatter(slot0)
        wait_gather(slot1)
        wait_scatter(slot0)

        @pl.when(p + 1 < _NB // 2)
        def _():
            start_fetch(2 * p + 2, slot0)
            wait_fetch_j(slot0)
            gather(slot0)

        mul_scatter(slot1)

    wait_scatter(slot1)

    @pl.when(wid < _NTAIL)
    def _tail():
        base = (_NB * _NW + wid) * _CHUNK
        pltpu.sync_copy(pair_hbm.at[pl.ds(N_EDGES + base, _CHUNK)], idxj_v0)
        pltpu.sync_copy(pair_hbm.at[pl.ds(base, _CHUNK)], idxi_v0)
        pltpu.sync_copy(wij_hbm.at[pl.ds(base, _CHUNK)], wij_v0)
        pltpu.async_copy(h_hbm.at[idxj_v0], rows_v0, semg0).wait()

        @pl.loop(0, _CHUNK)
        def _rows(r):
            for q in range(D_FEAT // 16):
                sl = pl.ds(q * 16, 16)
                rows_v0[r, sl] = rows_v0[r, sl] * wij_v0[r, sl]

        pltpu.sync_copy(rows_v0, acc_sh.at[idxi_v0], add=True)

    plsc.subcore_barrier()
    row0 = pl.ds(s * _ROWS_PER_TILE, _ROWS_PER_TILE)

    @pl.when(c == 0)
    def _dump0():
        pltpu.sync_copy(acc_sh.at[row0], out0_hbm.at[row0])

    @pl.when(c == 1)
    def _dump1():
        pltpu.sync_copy(acc_sh.at[row0], out1_hbm.at[row0])


def _sc_scatter(h, wij, pairlist, zeros_tile):
    mesh = plsc.VectorSubcoreMesh(core_axis_name="c", subcore_axis_name="s")
    k = pl.kernel(
        _sc_body,
        out_type=(jax.ShapeDtypeStruct((_N_PAD, D_FEAT), jnp.float32),
                  jax.ShapeDtypeStruct((_N_PAD, D_FEAT), jnp.float32)),
        mesh=mesh,
        compiler_params=pltpu.CompilerParams(use_tc_tiling_on_sc=True),
        scratch_types=(
            [pltpu.VMEM((_CHUNK,), jnp.int32),
             pltpu.VMEM((_CHUNK,), jnp.int32),
             pltpu.VMEM((_CHUNK, D_FEAT), jnp.float32),
             pltpu.VMEM((_CHUNK, D_FEAT), jnp.float32)] * 2
            + [pltpu.VMEM_SHARED((_N_PAD, D_FEAT), jnp.float32)]
            + [pltpu.SemaphoreType.DMA] * 10
        ),
    )
    return k(h, wij, pairlist.reshape(-1), zeros_tile)


def _out_body(p0_ref, p1_ref, w1_ref, b1_ref, w2_ref, b2_ref, o_ref):
    t = p0_ref[...] + p1_ref[...]
    t = _ssp(jnp.dot(t, w1_ref[...], preferred_element_type=jnp.float32)
             + b1_ref[...])
    o_ref[...] = jnp.dot(t, w2_ref[...], preferred_element_type=jnp.float32) \
        + b2_ref[...]


def _output_network(p0, p1, wo1, bo1, wo2, bo2):
    rb = 1000
    return pl.pallas_call(
        _out_body,
        grid=(N_NODES // rb,),
        in_specs=[
            pl.BlockSpec((rb, N_FILTERS), lambda i: (i, 0)),
            pl.BlockSpec((rb, N_FILTERS), lambda i: (i, 0)),
            pl.BlockSpec((N_FILTERS, D_FEAT), lambda i: (0, 0)),
            pl.BlockSpec((1, D_FEAT), lambda i: (0, 0)),
            pl.BlockSpec((D_FEAT, D_FEAT), lambda i: (0, 0)),
            pl.BlockSpec((1, D_FEAT), lambda i: (0, 0)),
        ],
        out_specs=pl.BlockSpec((rb, D_FEAT), lambda i: (i, 0)),
        out_shape=jax.ShapeDtypeStruct((N_NODES, D_FEAT), jnp.float32),
    )(p0, p1, wo1, bo1, wo2, bo2)


def kernel(x, pairlist, f_ij, f_ij_cutoff, W_in, Wf1, bf1, Wf2, bf2,
           Wo1, bo1, Wo2, bo2):
    h = _input_to_feature(x, W_in)
    wij = _filter_network(f_ij.reshape(N_EDGES, N_RBF),
                          f_ij_cutoff, Wf1,
                          bf1.reshape(1, -1), Wf2, bf2.reshape(1, -1))
    zeros_tile = jnp.zeros((_ROWS_PER_TILE, D_FEAT), jnp.float32)
    p0, p1 = _sc_scatter(h, wij, pairlist, zeros_tile)
    return _output_network(p0, p1, Wo1, bo1.reshape(1, -1),
                           Wo2, bo2.reshape(1, -1))

# --- scband reference (transcript-rebuilt; emitter-appended) ---
"""Pipeline reference for scband-sch-netinteraction-module-5437428597389 (READ-ONLY COPY).

The authoritative reference and input builder live on the scoring server;
editing this copy changes nothing except your own understanding.
"""

import jax, jax.numpy as jnp
import numpy as np

N_NODES = 10000
N_EDGES = 320000
D_FEAT = 128
N_FILTERS = 128
N_RBF = 20


def shifted_softplus(x):
    return jax.nn.softplus(x) - jnp.log(2.0)


def setup_inputs(seed: int = 0) -> dict:
    key = jax.random.key(seed)
    ks = jax.random.split(key, 13)
    x = jax.random.normal(ks[0], (N_NODES, D_FEAT), dtype=jnp.float32)
    pairlist = jax.random.randint(ks[1], (2, N_EDGES), 0, N_NODES, dtype=jnp.int64 if jax.config.jax_enable_x64 else jnp.int32).astype(jnp.int32)
    f_ij = jax.random.uniform(ks[2], (N_EDGES, 1, N_RBF), dtype=jnp.float32)
    f_ij_cutoff = jax.random.uniform(ks[3], (N_EDGES, 1), dtype=jnp.float32)
    # Parameters
    W_in = jax.random.normal(ks[4], (D_FEAT, N_FILTERS), dtype=jnp.float32) * 0.05
    Wf1 = jax.random.normal(ks[5], (N_RBF, N_FILTERS), dtype=jnp.float32) * 0.05
    bf1 = jnp.zeros((N_FILTERS,), dtype=jnp.float32)
    Wf2 = jax.random.normal(ks[6], (N_FILTERS, N_FILTERS), dtype=jnp.float32) * 0.05
    bf2 = jnp.zeros((N_FILTERS,), dtype=jnp.float32)
    Wo1 = jax.random.normal(ks[7], (N_FILTERS, D_FEAT), dtype=jnp.float32) * 0.05
    bo1 = jnp.zeros((D_FEAT,), dtype=jnp.float32)
    Wo2 = jax.random.normal(ks[8], (D_FEAT, D_FEAT), dtype=jnp.float32) * 0.05
    bo2 = jnp.zeros((D_FEAT,), dtype=jnp.float32)
    return {"x": x, "pairlist": pairlist, "f_ij": f_ij, "f_ij_cutoff": f_ij_cutoff,
            "W_in": W_in, "Wf1": Wf1, "bf1": bf1, "Wf2": Wf2, "bf2": bf2,
            "Wo1": Wo1, "bo1": bo1, "Wo2": Wo2, "bo2": bo2}


def reference(x, pairlist, f_ij, f_ij_cutoff, W_in, Wf1, bf1, Wf2, bf2, Wo1, bo1, Wo2, bo2):
    idx_i = pairlist[0]
    idx_j = pairlist[1]
    # input_to_feature: Dense, no bias, no activation
    h = x @ W_in
    # filter_network: Dense(rbf->filters, ssp) -> Dense(filters->filters)
    w = shifted_softplus(jnp.squeeze(f_ij, axis=1) @ Wf1 + bf1)
    W_ij = w @ Wf2 + bf2
    W_ij = W_ij * f_ij_cutoff
    # gather neighbor features
    x_j = jnp.take(h, idx_j, axis=0)
    x_ij = x_j * W_ij
    # scatter-add back to destination atoms
    out = jnp.zeros_like(h).at[idx_i].add(x_ij)
    # feature_to_output: Dense(filters->features, ssp) -> Dense(features->features)
    out = shifted_softplus(out @ Wo1 + bo1)
    out = out @ Wo2 + bo2
    return out

if __name__ == "__main__":
    import jax
    _d = setup_inputs()
    print(jax.jit(kernel)(*tuple(_d.values())))

</pallas_src>

<mosaic_0001>
#map = affine_map<(d0, d1) -> (0, 0)>
#map1 = affine_map<(d0, d1) -> (0)>
module attributes {stable_mosaic.version = 14 : i64} {
  func.func @_sc_body(%arg0: i32, %arg1: i32, %arg2: memref<10000x128xf32, #tpu.memory_space<hbm>>, %arg3: memref<320000x128xf32, #tpu.memory_space<hbm>>, %arg4: memref<640000xi32, #tpu.memory_space<hbm>>, %arg5: memref<640x128xf32, #tpu.memory_space<hbm>>, %arg6: memref<10240x128xf32, #tpu.memory_space<hbm>>, %arg7: memref<10240x128xf32, #tpu.memory_space<hbm>>, %arg8: memref<64xi32, #tpu.memory_space<vmem>>, %arg9: memref<64xi32, #tpu.memory_space<vmem>>, %arg10: memref<64x128xf32, #tpu.memory_space<vmem>>, %arg11: memref<64x128xf32, #tpu.memory_space<vmem>>, %arg12: memref<64xi32, #tpu.memory_space<vmem>>, %arg13: memref<64xi32, #tpu.memory_space<vmem>>, %arg14: memref<64x128xf32, #tpu.memory_space<vmem>>, %arg15: memref<64x128xf32, #tpu.memory_space<vmem>>, %arg16: memref<10240x128xf32, #tpu.memory_space<vmem_shared>>, %arg17: memref<!tpu.dma_semaphore, #tpu.memory_space<semaphore_mem>>, %arg18: memref<!tpu.dma_semaphore, #tpu.memory_space<semaphore_mem>>, %arg19: memref<!tpu.dma_semaphore, #tpu.memory_space<semaphore_mem>>, %arg20: memref<!tpu.dma_semaphore, #tpu.memory_space<semaphore_mem>>, %arg21: memref<!tpu.dma_semaphore, #tpu.memory_space<semaphore_mem>>, %arg22: memref<!tpu.dma_semaphore, #tpu.memory_space<semaphore_mem>>, %arg23: memref<!tpu.dma_semaphore, #tpu.memory_space<semaphore_mem>>, %arg24: memref<!tpu.dma_semaphore, #tpu.memory_space<semaphore_mem>>, %arg25: memref<!tpu.dma_semaphore, #tpu.memory_space<semaphore_mem>>, %arg26: memref<!tpu.dma_semaphore, #tpu.memory_space<semaphore_mem>>) attributes {dimension_semantics = [#tpu.dimension_semantics<core_parallel>, #tpu.dimension_semantics<subcore_parallel>], iteration_bounds = array<i64: 2, 16>, scalar_prefetch = 0 : i64, scratch_operands = 19 : i64, tpu.core_type = #tpu.core_type<sc_vector_subcore>, window_params = [{transform_indices = #map}, {transform_indices = #map}, {transform_indices = #map1}, {transform_indices = #map}, {transform_indices = #map}, {transform_indices = #map}]} {
    %mul3A = arith.constant 16 : i32
    %mul3A_0 = arith.muli %arg0, %mul3A : i32
    %add3A = arith.addi %mul3A_0, %arg1 : i32
    %mul3A_1 = arith.constant 640 : i32
    %mul3A_2 = arith.muli %arg1, %mul3A_1 : i32
    "tpu.region"() ({
      %run_scoped3A = tpu.sem_alloc : memref<!tpu.dma_semaphore, #tpu.memory_space<semaphore_mem>>
      %dma_start3A_43 = arith.constant 0 : i32
      %dma_start3A_44 = tpu.memref_slice %arg16[%mul3A_2, %dma_start3A_43] : memref<10240x128xf32, #tpu.memory_space<vmem_shared>> -> memref<640x128xf32, #tpu.memory_space<vmem_shared>>
      tpu.enqueue_dma source(%arg5 : memref<640x128xf32, #tpu.memory_space<hbm>>) target(%dma_start3A_44 : memref<640x128xf32, #tpu.memory_space<vmem_shared>>) target_semaphore(%run_scoped3A : memref<!tpu.dma_semaphore, #tpu.memory_space<semaphore_mem>>)
      %dma_wait3A_45 = arith.constant 0 : i32
      %dma_wait3A_46 = tpu.memref_slice %arg16[%mul3A_2, %dma_wait3A_45] : memref<10240x128xf32, #tpu.memory_space<vmem_shared>> -> memref<640x128xf32, #tpu.memory_space<vmem_shared>>
      tpu.wait_dma2 semaphore(%run_scoped3A : memref<!tpu.dma_semaphore, #tpu.memory_space<semaphore_mem>>) src(%arg5 : memref<640x128xf32, #tpu.memory_space<hbm>>) dst(%dma_wait3A_46 : memref<640x128xf32, #tpu.memory_space<vmem_shared>>)
      tpu.yield
    }) : () -> ()
    %barrier3A = arith.constant 0 : index
    tpu.barrier barrier_id(%barrier3A)
    %add3A_3 = arith.constant 0 : i32
    %add3A_4 = arith.addi %add3A, %add3A_3 : i32
    %mul3A_5 = arith.constant 64 : i32
    %mul3A_6 = arith.muli %add3A_4, %mul3A_5 : i32
    %add3A_7 = arith.constant 320000 : i32
    %add3A_8 = arith.addi %add3A_7, %mul3A_6 : i32
    %dma_start3A = tpu.memref_slice %arg4[%add3A_8] : memref<640000xi32, #tpu.memory_space<hbm>> -> memref<64xi32, #tpu.memory_space<hbm>>
    %dma_start3A_9 = tpu.memref_slice %arg4[%add3A_8] : memref<640000xi32, #tpu.memory_space<hbm>> -> memref<64xi32, #tpu.memory_space<hbm>>
    tpu.enqueue_dma source(%dma_start3A_9 : memref<64xi32, #tpu.memory_space<hbm>>) target(%arg8 : memref<64xi32, #tpu.memory_space<vmem>>) target_semaphore(%arg17 : memref<!tpu.dma_semaphore, #tpu.memory_space<semaphore_mem>>)
    %dma_start3A_10 = tpu.memref_slice %arg4[%mul3A_6] : memref<640000xi32, #tpu.memory_space<hbm>> -> memref<64xi32, #tpu.memory_space<hbm>>
    %dma_start3A_11 = tpu.memref_slice %arg4[%mul3A_6] : memref<640000xi32, #tpu.memory_space<hbm>> -> memref<64xi32, #tpu.memory_space<hbm>>
    tpu.enqueue_dma source(%dma_start3A_11 : memref<64xi32, #tpu.memory_space<hbm>>) target(%arg9 : memref<64xi32, #tpu.memory_space<vmem>>) target_semaphore(%arg18 : memref<!tpu.dma_semaphore, #tpu.memory_space<semaphore_mem>>)
    %dma_start3A_12 = arith.constant 0 : i32
    %dma_start3A_13 = tpu.memref_slice %arg3[%mul3A_6, %dma_start3A_12] : memref<320000x128xf32, #tpu.memory_space<hbm>> -> memref<64x128xf32, #tpu.memory_space<hbm>>
    %dma_start3A_14 = arith.constant 0 : i32
    %dma_start3A_15 = tpu.memref_slice %arg3[%mul3A_6, %dma_start3A_14] : memref<320000x128xf32, #tpu.memory_space<hbm>> -> memref<64x128xf32, #tpu.memory_space<hbm>>
    tpu.enqueue_dma source(%dma_start3A_15 : memref<64x128xf32, #tpu.memory_space<hbm>>) target(%arg11 : memref<64x128xf32, #tpu.memory_space<vmem>>) target_semaphore(%arg19 : memref<!tpu.dma_semaphore, #tpu.memory_space<semaphore_mem>>)
    %dma_wait3A = arith.constant 0 : i32
    %dma_wait3A_16 = tpu.memref_slice %arg4[%dma_wait3A] : memref<640000xi32, #tpu.memory_space<hbm>> -> memref<64xi32, #tpu.memory_space<hbm>>
    %dma_wait3A_17 = arith.constant 0 : i32
    %dma_wait3A_18 = tpu.memref_slice %arg4[%dma_wait3A_17] : memref<640000xi32, #tpu.memory_space<hbm>> -> memref<64xi32, #tpu.memory_space<hbm>>
    tpu.wait_dma2 semaphore(%arg17 : memref<!tpu.dma_semaphore, #tpu.memory_space<semaphore_mem>>) src(%dma_wait3A_18 : memref<64xi32, #tpu.memory_space<hbm>>) dst(%arg8 : memref<64xi32, #tpu.memory_space<vmem>>)
    %dma_start3A_19 = arith.constant 0 : i32
    %dma_start3A_20 = arith.constant 0 : i32
    %dma_start3A_21 = tpu.memref_slice %arg2[%dma_start3A_19, %dma_start3A_20] : memref<10000x128xf32, #tpu.memory_space<hbm>> -> memref<10000x128xf32, #tpu.memory_space<hbm>>
    tpu.enqueue_indirect_dma source(%dma_start3A_21 : memref<10000x128xf32, #tpu.memory_space<hbm>>) target(%arg10 : memref<64x128xf32, #tpu.memory_space<vmem>>) offsets(%arg8 : memref<64xi32, #tpu.memory_space<vmem>>) semaphore(%arg20 : memref<!tpu.dma_semaphore, #tpu.memory_space<semaphore_mem>>)
    %scan3A = arith.constant 0 : i32
    %scan3A_22 = arith.constant 78 : i32
    %scan3A_23 = arith.addi %scan3A, %scan3A_22 : i32
    %scan3A_24 = arith.constant 1 : i32
    scf.for %scan3A_43 = %scan3A to %scan3A_23 step %scan3A_24  : i32 {
      %mul3A_44 = arith.constant 1 : i32
      %mul3A_45 = arith.muli %scan3A_43, %mul3A_44 : i32
      %add3A_46 = arith.constant 0 : i32
      %add3A_47 = arith.addi %add3A_46, %mul3A_45 : i32
      %gt3A = arith.constant 0 : i32
      %gt3A_48 = arith.cmpi sgt, %add3A_47, %gt3A : i32
      %convert_element_type3A_49 = arith.extui %gt3A_48 : i1 to i32
      %cond3A_50 = arith.constant 0 : i32
      %cond3A_51 = arith.cmpi ne, %convert_element_type3A_49, %cond3A_50 : i32
      scf.if %cond3A_51 {
        %dma_wait3A_125 = arith.constant 0 : i32
        %dma_wait3A_126 = arith.constant 0 : i32
        %dma_wait3A_127 = tpu.memref_slice %arg16[%dma_wait3A_125, %dma_wait3A_126] : memref<10240x128xf32, #tpu.memory_space<vmem_shared>> -> memref<10240x128xf32, #tpu.memory_space<vmem_shared>>
        tpu.wait_indirect_dma semaphore(%arg26 : memref<!tpu.dma_semaphore, #tpu.memory_space<semaphore_mem>>) src(%arg14 : memref<64x128xf32, #tpu.memory_space<vmem>>) dst(%dma_wait3A_127 : memref<10240x128xf32, #tpu.memory_space<vmem_shared>>)
      } else {
      }
      %mul3A_52 = arith.constant 2 : i32
      %mul3A_53 = arith.muli %mul3A_52, %add3A_47 : i32
      %add3A_54 = arith.constant 1 : i32
      %add3A_55 = arith.addi %mul3A_53, %add3A_54 : i32
      %mul3A_56 = arith.constant 32 : i32
      %mul3A_57 = arith.muli %add3A_55, %mul3A_56 : i32
      %add3A_58 = arith.addi %add3A, %mul3A_57 : i32
      %mul3A_59 = arith.constant 64 : i32
      %mul3A_60 = arith.muli %add3A_58, %mul3A_59 : i32
      %add3A_61 = arith.constant 320000 : i32
      %add3A_62 = arith.addi %add3A_61, %mul3A_60 : i32
      %dma_start3A_63 = tpu.memref_slice %arg4[%add3A_62] : memref<640000xi32, #tpu.memory_space<hbm>> -> memref<64xi32, #tpu.memory_space<hbm>>
      %dma_start3A_64 = tpu.memref_slice %arg4[%add3A_62] : memref<640000xi32, #tpu.memory_space<hbm>> -> memref<64xi32, #tpu.memory_space<hbm>>
      tpu.enqueue_dma source(%dma_start3A_64 : memref<64xi32, #tpu.memory_space<hbm>>) target(%arg12 : memref<64xi32, #tpu.memory_space<vmem>>) target_semaphore(%arg22 : memref<!tpu.dma_semaphore, #tpu.memory_space<semaphore_mem>>)
      %dma_start3A_65 = tpu.memref_slice %arg4[%mul3A_60] : memref<640000xi32, #tpu.memory_space<hbm>> -> memref<64xi32, #tpu.memory_space<hbm>>
      %dma_start3A_66 = tpu.memref_slice %arg4[%mul3A_60] : memref<640000xi32, #tpu.memory_space<hbm>> -> memref<64xi32, #tpu.memory_space<hbm>>
      tpu.enqueue_dma source(%dma_start3A_66 : memref<64xi32, #tpu.memory_space<hbm>>) target(%arg13 : memref<64xi32, #tpu.memory_space<vmem>>) target_semaphore(%arg23 : memref<!tpu.dma_semaphore, #tpu.memory_space<semaphore_mem>>)
      %dma_start3A_67 = arith.constant 0 : i32
      %dma_start3A_68 = tpu.memref_slice %arg3[%mul3A_60, %dma_start3A_67] : memref<320000x128xf32, #tpu.memory_space<hbm>> -> memref<64x128xf32, #tpu.memory_space<hbm>>
      %dma_start3A_69 = arith.constant 0 : i32
      %dma_start3A_70 = tpu.memref_slice %arg3[%mul3A_60, %dma_start3A_69] : memref<320000x128xf32, #tpu.memory_space<hbm>> -> memref<64x128xf32, #tpu.memory_space<hbm>>
      tpu.enqueue_dma source(%dma_start3A_70 : memref<64x128xf32, #tpu.memory_space<hbm>>) target(%arg15 : memref<64x128xf32, #tpu.memory_space<vmem>>) target_semaphore(%arg24 : memref<!tpu.dma_semaphore, #tpu.memory_space<semaphore_mem>>)
      %dma_wait3A_71 = arith.constant 0 : i32
      %dma_wait3A_72 = arith.constant 0 : i32
      %dma_wait3A_73 = tpu.memref_slice %arg2[%dma_wait3A_71, %dma_wait3A_72] : memref<10000x128xf32, #tpu.memory_space<hbm>> -> memref<10000x128xf32, #tpu.memory_space<hbm>>
      tpu.wait_indirect_dma semaphore(%arg20 : memref<!tpu.dma_semaphore, #tpu.memory_space<semaphore_mem>>) src(%dma_wait3A_73 : memref<10000x128xf32, #tpu.memory_space<hbm>>) dst(%arg10 : memref<64x128xf32, #tpu.memory_space<vmem>>)
      %dma_wait3A_74 = arith.constant 0 : i32
      %dma_wait3A_75 = tpu.memref_slice %arg4[%dma_wait3A_74] : memref<640000xi32, #tpu.memory_space<hbm>> -> memref<64xi32, #tpu.memory_space<hbm>>
      %dma_wait3A_76 = arith.constant 0 : i32
      %dma_wait3A_77 = tpu.memref_slice %arg4[%dma_wait3A_76] : memref<640000xi32, #tpu.memory_space<hbm>> -> memref<64xi32, #tpu.memory_space<hbm>>
      tpu.wait_dma2 semaphore(%arg22 : memref<!tpu.dma_semaphore, #tpu.memory_space<semaphore_mem>>) src(%dma_wait3A_77 : memref<64xi32, #tpu.memory_space<hbm>>) dst(%arg12 : memref<64xi32, #tpu.memory_space<vmem>>)
      %dma_start3A_78 = arith.constant 0 : i32
      %dma_start3A_79 = arith.constant 0 : i32
      %dma_start3A_80 = tpu.memref_slice %arg2[%dma_start3A_78, %dma_start3A_79] : memref<10000x128xf32, #tpu.memory_space<hbm>> -> memref<10000x128xf32, #tpu.memory_space<hbm>>
      tpu.enqueue_indirect_dma source(%dma_start3A_80 : memref<10000x128xf32, #tpu.memory_space<hbm>>) target(%arg14 : memref<64x128xf32, #tpu.memory_space<vmem>>) offsets(%arg12 : memref<64xi32, #tpu.memory_space<vmem>>) semaphore(%arg25 : memref<!tpu.dma_semaphore, #tpu.memory_space<semaphore_mem>>)
      %dma_wait3A_81 = arith.constant 0 : i32
      %dma_wait3A_82 = arith.constant 0 : i32
      %dma_wait3A_83 = tpu.memref_slice %arg3[%dma_wait3A_81, %dma_wait3A_82] : memref<320000x128xf32, #tpu.memory_space<hbm>> -> memref<64x128xf32, #tpu.memory_space<hbm>>
      %dma_wait3A_84 = arith.constant 0 : i32
      %dma_wait3A_85 = arith.constant 0 : i32
      %dma_wait3A_86 = tpu.memref_slice %arg3[%dma_wait3A_84, %dma_wait3A_85] : memref<320000x128xf32, #tpu.memory_space<hbm>> -> memref<64x128xf32, #tpu.memory_space<hbm>>
      tpu.wait_dma2 semaphore(%arg19 : memref<!tpu.dma_semaphore, #tpu.memory_space<semaphore_mem>>) src(%dma_wait3A_86 : memref<64x128xf32, #tpu.memory_space<hbm>>) dst(%arg11 : memref<64x128xf32, #tpu.memory_space<vmem>>)
      %parallel_loop3A = arith.constant 0 : i32
      %parallel_loop3A_87 = arith.constant 64 : i32
      %parallel_loop3A_88 = arith.constant 1 : i32
      scf.for %parallel_loop3A_125 = %parallel_loop3A to %parallel_loop3A_87 step %parallel_loop3A_88  : i32 {
        %parallel_loop3A_126 = arith.index_cast %parallel_loop3A_125 : i32 to index
        %parallel_loop3A_127 = arith.constant 0 : index
        %parallel_loop3A_128 = tpu.vector_load %arg10[%parallel_loop3A_126, %parallel_loop3A_127] {strides = array<i32>} : memref<64x128xf32, #tpu.memory_space<vmem>>, vector<1x16xf32>,
        %parallel_loop3A_129 = vector.shape_cast %parallel_loop3A_128 : vector<1x16xf32> to vector<16xf32>
        %parallel_loop3A_130 = arith.index_cast %parallel_loop3A_125 : i32 to index
        %parallel_loop3A_131 = arith.constant 0 : index
        %parallel_loop3A_132 = tpu.vector_load %arg11[%parallel_loop3A_130, %parallel_loop3A_131] {strides = array<i32>} : memref<64x128xf32, #tpu.memory_space<vmem>>, vector<1x16xf32>,
        %parallel_loop3A_133 = vector.shape_cast %parallel_loop3A_132 : vector<1x16xf32> to vector<16xf32>
        %parallel_loop3A_134 = arith.mulf %parallel_loop3A_129, %parallel_loop3A_133 : vector<16xf32>
        %parallel_loop3A_135 = arith.index_cast %parallel_loop3A_125 : i32 to index
        %parallel_loop3A_136 = arith.constant 0 : index
        %parallel_loop3A_137 = tpu.vector_load %arg10[%parallel_loop3A_135, %parallel_loop3A_136] {strides = array<i32>} : memref<64x128xf32, #tpu.memory_space<vmem>>, vector<1x16xf32>,
        %parallel_loop3A_138 = vector.shape_cast %parallel_loop3A_137 : vector<1x16xf32> to vector<16xf32>
        %parallel_loop3A_139 = vector.shape_cast %parallel_loop3A_134 : vector<16xf32> to vector<1x16xf32>
        tpu.vector_store %arg10[%parallel_loop3A_135, %parallel_loop3A_136], %parallel_loop3A_139 {strides = array<i32>} : memref<64x128xf32, #tpu.memory_space<vmem>>, vector<1x16xf32>,
        %parallel_loop3A_140 = arith.index_cast %parallel_loop3A_125 : i32 to index
        %parallel_loop3A_141 = arith.constant 16 : index
        %parallel_loop3A_142 = tpu.vector_load %arg10[%parallel_loop3A_140, %parallel_loop3A_141] {strides = array<i32>} : memref<64x128xf32, #tpu.memory_space<vmem>>, vector<1x16xf32>,
        %parallel_loop3A_143 = vector.shape_cast %parallel_loop3A_142 : vector<1x16xf32> to vector<16xf32>
        %parallel_loop3A_144 = arith.index_cast %parallel_loop3A_125 : i32 to index
        %parallel_loop3A_145 = arith.constant 16 : index
        %parallel_loop3A_146 = tpu.vector_load %arg11[%parallel_loop3A_144, %parallel_loop3A_145] {strides = array<i32>} : memref<64x128xf32, #tpu.memory_space<vmem>>, vector<1x16xf32>,
        %parallel_loop3A_147 = vector.shape_cast %parallel_loop3A_146 : vector<1x16xf32> to vector<16xf32>
        %parallel_loop3A_148 = arith.mulf %parallel_loop3A_143, %parallel_loop3A_147 : vector<16xf32>
        %parallel_loop3A_149 = arith.index_cast %parallel_loop3A_125 : i32 to index
        %parallel_loop3A_150 = arith.constant 16 : index
        %parallel_loop3A_151 = tpu.vector_load %arg10[%parallel_loop3A_149, %parallel_loop3A_150] {strides = array<i32>} : memref<64x128xf32, #tpu.memory_space<vmem>>, vector<1x16xf32>,
        %parallel_loop3A_152 = vector.shape_cast %parallel_loop3A_151 : vector<1x16xf32> to vector<16xf32>
        %parallel_loop3A_153 = vector.shape_cast %parallel_loop3A_148 : vector<16xf32> to vector<1x16xf32>
        tpu.vector_store %arg10[%parallel_loop3A_149, %parallel_loop3A_150], %parallel_loop3A_153 {strides = array<i32>} : memref<64x128xf32, #tpu.memory_space<vmem>>, vector<1x16xf32>,
        %parallel_loop3A_154 = arith.index_cast %parallel_loop3A_125 : i32 to index
        %parallel_loop3A_155 = arith.constant 32 : index
        %parallel_loop3A_156 = tpu.vector_load %arg10[%parallel_loop3A_154, %parallel_loop3A_155] {strides = array<i32>} : memref<64x128xf32, #tpu.memory_space<vmem>>, vector<1x16xf32>,
        %parallel_loop3A_157 = vector.shape_cast %parallel_loop3A_156 : vector<1x16xf32> to vector<16xf32>
        %parallel_loop3A_158 = arith.index_cast %parallel_loop3A_125 : i32 to index
        %parallel_loop3A_159 = arith.constant 32 : index
        %parallel_loop3A_160 = tpu.vector_load %arg11[%parallel_loop3A_158, %parallel_loop3A_159] {strides = array<i32>} : memref<64x128xf32, #tpu.memory_space<vmem>>, vector<1x16xf32>,
        %parallel_loop3A_161 = vector.shape_cast %parallel_loop3A_160 : vector<1x16xf32> to vector<16xf32>
        %parallel_loop3A_162 = arith.mulf %parallel_loop3A_157, %parallel_loop3A_161 : vector<16xf32>
        %parallel_loop3A_163 = arith.index_cast %parallel_loop3A_125 : i32 to index
        %parallel_loop3A_164 = arith.constant 32 : index
        %parallel_loop3A_165 = tpu.vector_load %arg10[%parallel_loop3A_163, %parallel_loop3A_164] {strides = array<i32>} : memref<64x128xf32, #tpu.memory_space<vmem>>, vector<1x16xf32>,
        %parallel_loop3A_166 = vector.shape_cast %parallel_loop3A_165 : vector<1x16xf32> to vector<16xf32>
        %parallel_loop3A_167 = vector.shape_cast %parallel_loop3A_162 : vector<16xf32> to vector<1x16xf32>
        tpu.vector_store %arg10[%parallel_loop3A_163, %parallel_loop3A_164], %parallel_loop3A_167 {strides = array<i32>} : memref<64x128xf32, #tpu.memory_space<vmem>>, vector<1x16xf32>,
        %parallel_loop3A_168 = arith.index_cast %parallel_loop3A_125 : i32 to index
        %parallel_loop3A_169 = arith.constant 48 : index
        %parallel_loop3A_170 = tpu.vector_load %arg10[%parallel_loop3A_168, %parallel_loop3A_169] {strides = array<i32>} : memref<64x128xf32, #tpu.memory_space<vmem>>, vector<1x16xf32>,
        %parallel_loop3A_171 = vector.shape_cast %parallel_loop3A_170 : vector<1x16xf32> to vector<16xf32>
        %parallel_loop3A_172 = arith.index_cast %parallel_loop3A_125 : i32 to index
        %parallel_loop3A_173 = arith.constant 48 : index
        %parallel_loop3A_174 = tpu.vector_load %arg11[%parallel_loop3A_172, %parallel_loop3A_173] {strides = array<i32>} : memref<64x128xf32, #tpu.memory_space<vmem>>, vector<1x16xf32>,
        %parallel_loop3A_175 = vector.shape_cast %parallel_loop3A_174 : vector<1x16xf32> to vector<16xf32>
        %parallel_loop3A_176 = arith.mulf %parallel_loop3A_171, %parallel_loop3A_175 : vector<16xf32>
        %parallel_loop3A_177 = arith.index_cast %parallel_loop3A_125 : i32 to index
        %parallel_loop3A_178 = arith.constant 48 : index
        %parallel_loop3A_179 = tpu.vector_load %arg10[%parallel_loop3A_177, %parallel_loop3A_178] {strides = array<i32>} : memref<64x128xf32, #tpu.memory_space<vmem>>, vector<1x16xf32>,
        %parallel_loop3A_180 = vector.shape_cast %parallel_loop3A_179 : vector<1x16xf32> to vector<16xf32>
        %parallel_loop3A_181 = vector.shape_cast %parallel_loop3A_176 : vector<16xf32> to vector<1x16xf32>
        tpu.vector_store %arg10[%parallel_loop3A_177, %parallel_loop3A_178], %parallel_loop3A_181 {strides = array<i32>} : memref<64x128xf32, #tpu.memory_space<vmem>>, vector<1x16xf32>,
        %parallel_loop3A_182 = arith.index_cast %parallel_loop3A_125 : i32 to index
        %parallel_loop3A_183 = arith.constant 64 : index
        %parallel_loop3A_184 = tpu.vector_load %arg10[%parallel_loop3A_182, %parallel_loop3A_183] {strides = array<i32>} : memref<64x128xf32, #tpu.memory_space<vmem>>, vector<1x16xf32>,
        %parallel_loop3A_185 = vector.shape_cast %parallel_loop3A_184 : vector<1x16xf32> to vector<16xf32>
        %parallel_loop3A_186 = arith.index_cast %parallel_loop3A_125 : i32 to index
        %parallel_loop3A_187 = arith.constant 64 : index
        %parallel_loop3A_188 = tpu.vector_load %arg11[%parallel_loop3A_186, %parallel_loop3A_187] {strides = array<i32>} : memref<64x128xf32, #tpu.memory_space<vmem>>, vector<1x16xf32>,
        %parallel_loop3A_189 = vector.shape_cast %parallel_loop3A_188 : vector<1x16xf32> to vector<16xf32>
        %parallel_loop3A_190 = arith.mulf %parallel_loop3A_185, %parallel_loop3A_189 : vector<16xf32>
        %parallel_loop3A_191 = arith.index_cast %parallel_loop3A_125 : i32 to index
        %parallel_loop3A_192 = arith.constant 64 : index
        %parallel_loop3A_193 = tpu.vector_load %arg10[%parallel_loop3A_191, %parallel_loop3A_192] {strides = array<i32>} : memref<64x128xf32, #tpu.memory_space<vmem>>, vector<1x16xf32>,
        %parallel_loop3A_194 = vector.shape_cast %parallel_loop3A_193 : vector<1x16xf32> to vector<16xf32>
        %parallel_loop3A_195 = vector.shape_cast %parallel_loop3A_190 : vector<16xf32> to vector<1x16xf32>
        tpu.vector_store %arg10[%parallel_loop3A_191, %parallel_loop3A_192], %parallel_loop3A_195 {strides = array<i32>} : memref<64x128xf32, #tpu.memory_space<vmem>>, vector<1x16xf32>,
        %parallel_loop3A_196 = arith.index_cast %parallel_loop3A_125 : i32 to index
        %parallel_loop3A_197 = arith.constant 80 : index
        %parallel_loop3A_198 = tpu.vector_load %arg10[%parallel_loop3A_196, %parallel_loop3A_197] {strides = array<i32>} : memref<64x128xf32, #tpu.memory_space<vmem>>, vector<1x16xf32>,
        %parallel_loop3A_199 = vector.shape_cast %parallel_loop3A_198 : vector<1x16xf32> to vector<16xf32>
        %parallel_loop3A_200 = arith.index_cast %parallel_loop3A_125 : i32 to index
        %parallel_loop3A_201 = arith.constant 80 : index
        %parallel_loop3A_202 = tpu.vector_load %arg11[%parallel_loop3A_200, %parallel_loop3A_201] {strides = array<i32>} : memref<64x128xf32, #tpu.memory_space<vmem>>, vector<1x16xf32>,
        %parallel_loop3A_203 = vector.shape_cast %parallel_loop3A_202 : vector<1x16xf32> to vector<16xf32>
        %parallel_loop3A_204 = arith.mulf %parallel_loop3A_199, %parallel_loop3A_203 : vector<16xf32>
        %parallel_loop3A_205 = arith.index_cast %parallel_loop3A_125 : i32 to index
        %parallel_loop3A_206 = arith.constant 80 : index
        %parallel_loop3A_207 = tpu.vector_load %arg10[%parallel_loop3A_205, %parallel_loop3A_206] {strides = array<i32>} : memref<64x128xf32, #tpu.memory_space<vmem>>, vector<1x16xf32>,
        %parallel_loop3A_208 = vector.shape_cast %parallel_loop3A_207 : vector<1x16xf32> to vector<16xf32>
        %parallel_loop3A_209 = vector.shape_cast %parallel_loop3A_204 : vector<16xf32> to vector<1x16xf32>
        tpu.vector_store %arg10[%parallel_loop3A_205, %parallel_loop3A_206], %parallel_loop3A_209 {strides = array<i32>} : memref<64x128xf32, #tpu.memory_space<vmem>>, vector<1x16xf32>,
        %parallel_loop3A_210 = arith.index_cast %parallel_loop3A_125 : i32 to index
        %parallel_loop3A_211 = arith.constant 96 : index
        %parallel_loop3A_212 = tpu.vector_load %arg10[%parallel_loop3A_210, %parallel_loop3A_211] {strides = array<i32>} : memref<64x128xf32, #tpu.memory_space<vmem>>, vector<1x16xf32>,
        %parallel_loop3A_213 = vector.shape_cast %parallel_loop3A_212 : vector<1x16xf32> to vector<16xf32>
        %parallel_loop3A_214 = arith.index_cast %parallel_loop3A_125 : i32 to index
        %parallel_loop3A_215 = arith.constant 96 : index
        %parallel_loop3A_216 = tpu.vector_load %arg11[%parallel_loop3A_214, %parallel_loop3A_215] {strides = array<i32>} : memref<64x128xf32, #tpu.memory_space<vmem>>, vector<1x16xf32>,
        %parallel_loop3A_217 = vector.shape_cast %parallel_loop3A_216 : vector<1x16xf32> to vector<16xf32>
        %parallel_loop3A_218 = arith.mulf %parallel_loop3A_213, %parallel_loop3A_217 : vector<16xf32>
        %parallel_loop3A_219 = arith.index_cast %parallel_loop3A_125 : i32 to index
        %parallel_loop3A_220 = arith.constant 96 : index
        %parallel_loop3A_221 = tpu.vector_load %arg10[%parallel_loop3A_219, %parallel_loop3A_220] {strides = array<i32>} : memref<64x128xf32, #tpu.memory_space<vmem>>, vector<1x16xf32>,
        %parallel_loop3A_222 = vector.shape_cast %parallel_loop3A_221 : vector<1x16xf32> to vector<16xf32>
        %parallel_loop3A_223 = vector.shape_cast %parallel_loop3A_218 : vector<16xf32> to vector<1x16xf32>
        tpu.vector_store %arg10[%parallel_loop3A_219, %parallel_loop3A_220], %parallel_loop3A_223 {strides = array<i32>} : memref<64x128xf32, #tpu.memory_space<vmem>>, vector<1x16xf32>,
        %parallel_loop3A_224 = arith.index_cast %parallel_loop3A_125 : i32 to index
        %parallel_loop3A_225 = arith.constant 112 : index
        %parallel_loop3A_226 = tpu.vector_load %arg10[%parallel_loop3A_224, %parallel_loop3A_225] {strides = array<i32>} : memref<64x128xf32, #tpu.memory_space<vmem>>, vector<1x16xf32>,
        %parallel_loop3A_227 = vector.shape_cast %parallel_loop3A_226 : vector<1x16xf32> to vector<16xf32>
        %parallel_loop3A_228 = arith.index_cast %parallel_loop3A_125 : i32 to index
        %parallel_loop3A_229 = arith.constant 112 : index
        %parallel_loop3A_230 = tpu.vector_load %arg11[%parallel_loop3A_228, %parallel_loop3A_229] {strides = array<i32>} : memref<64x128xf32, #tpu.memory_space<vmem>>, vector<1x16xf32>,
        %parallel_loop3A_231 = vector.shape_cast %parallel_loop3A_230 : vector<1x16xf32> to vector<16xf32>
        %parallel_loop3A_232 = arith.mulf %parallel_loop3A_227, %parallel_loop3A_231 : vector<16xf32>
        %parallel_loop3A_233 = arith.index_cast %parallel_loop3A_125 : i32 to index
        %parallel_loop3A_234 = arith.constant 112 : index
        %parallel_loop3A_235 = tpu.vector_load %arg10[%parallel_loop3A_233, %parallel_loop3A_234] {strides = array<i32>} : memref<64x128xf32, #tpu.memory_space<vmem>>, vector<1x16xf32>,
        %parallel_loop3A_236 = vector.shape_cast %parallel_loop3A_235 : vector<1x16xf32> to vector<16xf32>
        %parallel_loop3A_237 = vector.shape_cast %parallel_loop3A_232 : vector<16xf32> to vector<1x16xf32>
        tpu.vector_store %arg10[%parallel_loop3A_233, %parallel_loop3A_234], %parallel_loop3A_237 {strides = array<i32>} : memref<64x128xf32, #tpu.memory_space<vmem>>, vector<1x16xf32>,
      } {sc.loop_unroll_factor = 4 : i64, sc.parallel_access}
      %dma_wait3A_89 = arith.constant 0 : i32
      %dma_wait3A_90 = tpu.memref_slice %arg4[%dma_wait3A_89] : memref<640000xi32, #tpu.memory_space<hbm>> -> memref<64xi32, #tpu.memory_space<hbm>>
      %dma_wait3A_91 = arith.constant 0 : i32
      %dma_wait3A_92 = tpu.memref_slice %arg4[%dma_wait3A_91] : memref<640000xi32, #tpu.memory_space<hbm>> -> memref<64xi32, #tpu.memory_space<hbm>>
      tpu.wait_dma2 semaphore(%arg18 : memref<!tpu.dma_semaphore, #tpu.memory_space<semaphore_mem>>) src(%dma_wait3A_92 : memref<64xi32, #tpu.memory_space<hbm>>) dst(%arg9 : memref<64xi32, #tpu.memory_space<vmem>>)
      %dma_start3A_93 = arith.constant 0 : i32
      %dma_start3A_94 = arith.constant 0 : i32
      %dma_start3A_95 = tpu.memref_slice %arg16[%dma_start3A_93, %dma_start3A_94] : memref<10240x128xf32, #tpu.memory_space<vmem_shared>> -> memref<10240x128xf32, #tpu.memory_space<vmem_shared>>
      tpu.enqueue_indirect_dma source(%arg10 : memref<64x128xf32, #tpu.memory_space<vmem>>) target(%dma_start3A_95 : memref<10240x128xf32, #tpu.memory_space<vmem_shared>>) offsets(%arg9 : memref<64xi32, #tpu.memory_space<vmem>>) semaphore(%arg21 : memref<!tpu.dma_semaphore, #tpu.memory_space<semaphore_mem>>) {add = true}
      %dma_wait3A_96 = arith.constant 0 : i32
      %dma_wait3A_97 = arith.constant 0 : i32
      %dma_wait3A_98 = tpu.memref_slice %arg2[%dma_wait3A_96, %dma_wait3A_97] : memref<10000x128xf32, #tpu.memory_space<hbm>> -> memref<10000x128xf32, #tpu.memory_space<hbm>>
      tpu.wait_indirect_dma semaphore(%arg25 : memref<!tpu.dma_semaphore, #tpu.memory_space<semaphore_mem>>) src(%dma_wait3A_98 : memref<10000x128xf32, #tpu.memory_space<hbm>>) dst(%arg14 : memref<64x128xf32, #tpu.memory_space<vmem>>)
      %dma_wait3A_99 = arith.constant 0 : i32
      %dma_wait3A_100 = arith.constant 0 : i32
      %dma_wait3A_101 = tpu.memref_slice %arg16[%dma_wait3A_99, %dma_wait3A_100] : memref<10240x128xf32, #tpu.memory_space<vmem_shared>> -> memref<10240x128xf32, #tpu.memory_space<vmem_shared>>
      tpu.wait_indirect_dma semaphore(%arg21 : memref<!tpu.dma_semaphore, #tpu.memory_space<semaphore_mem>>) src(%arg10 : memref<64x128xf32, #tpu.memory_space<vmem>>) dst(%dma_wait3A_101 : memref<10240x128xf32, #tpu.memory_space<vmem_shared>>)
      %add3A_102 = arith.constant 1 : i32
      %add3A_103 = arith.addi %add3A_47, %add3A_102 : i32
      %lt3A_104 = arith.constant 78 : i32
      %lt3A_105 = arith.cmpi slt, %add3A_103, %lt3A_104 : i32
      %convert_element_type3A_106 = arith.extui %lt3A_105 : i1 to i32
      %cond3A_107 = arith.constant 0 : i32
      %cond3A_108 = arith.cmpi ne, %convert_element_type3A_106, %cond3A_107 : i32
      scf.if %cond3A_108 {
        %mul3A_125 = arith.constant 2 : i32
        %mul3A_126 = arith.muli %mul3A_125, %add3A_47 : i32
        %add3A_127 = arith.constant 2 : i32
        %add3A_128 = arith.addi %mul3A_126, %add3A_127 : i32
        %mul3A_129 = arith.constant 32 : i32
        %mul3A_130 = arith.muli %add3A_128, %mul3A_129 : i32
        %add3A_131 = arith.addi %add3A, %mul3A_130 : i32
        %mul3A_132 = arith.constant 64 : i32
        %mul3A_133 = arith.muli %add3A_131, %mul3A_132 : i32
        %add3A_134 = arith.constant 320000 : i32
        %add3A_135 = arith.addi %add3A_134, %mul3A_133 : i32
        %dma_start3A_136 = tpu.memref_slice %arg4[%add3A_135] : memref<640000xi32, #tpu.memory_space<hbm>> -> memref<64xi32, #tpu.memory_space<hbm>>
        %dma_start3A_137 = tpu.memref_slice %arg4[%add3A_135] : memref<640000xi32, #tpu.memory_space<hbm>> -> memref<64xi32, #tpu.memory_space<hbm>>
        tpu.enqueue_dma source(%dma_start3A_137 : memref<64xi32, #tpu.memory_space<hbm>>) target(%arg8 : memref<64xi32, #tpu.memory_space<vmem>>) target_semaphore(%arg17 : memref<!tpu.dma_semaphore, #tpu.memory_space<semaphore_mem>>)
        %dma_start3A_138 = tpu.memref_slice %arg4[%mul3A_133] : memref<640000xi32, #tpu.memory_space<hbm>> -> memref<64xi32, #tpu.memory_space<hbm>>
        %dma_start3A_139 = tpu.memref_slice %arg4[%mul3A_133] : memref<640000xi32, #tpu.memory_space<hbm>> -> memref<64xi32, #tpu.memory_space<hbm>>
        tpu.enqueue_dma source(%dma_start3A_139 : memref<64xi32, #tpu.memory_space<hbm>>) target(%arg9 : memref<64xi32, #tpu.memory_space<vmem>>) target_semaphore(%arg18 : memref<!tpu.dma_semaphore, #tpu.memory_space<semaphore_mem>>)
        %dma_start3A_140 = arith.constant 0 : i32
        %dma_start3A_141 = tpu.memref_slice %arg3[%mul3A_133, %dma_start3A_140] : memref<320000x128xf32, #tpu.memory_space<hbm>> -> memref<64x128xf32, #tpu.memory_space<hbm>>
        %dma_start3A_142 = arith.constant 0 : i32
        %dma_start3A_143 = tpu.memref_slice %arg3[%mul3A_133, %dma_start3A_142] : memref<320000x128xf32, #tpu.memory_space<hbm>> -> memref<64x128xf32, #tpu.memory_space<hbm>>
        tpu.enqueue_dma source(%dma_start3A_143 : memref<64x128xf32, #tpu.memory_space<hbm>>) target(%arg11 : memref<64x128xf32, #tpu.memory_space<vmem>>) target_semaphore(%arg19 : memref<!tpu.dma_semaphore, #tpu.memory_space<semaphore_mem>>)
        %dma_wait3A_144 = arith.constant 0 : i32
        %dma_wait3A_145 = tpu.memref_slice %arg4[%dma_wait3A_144] : memref<640000xi32, #tpu.memory_space<hbm>> -> memref<64xi32, #tpu.memory_space<hbm>>
        %dma_wait3A_146 = arith.constant 0 : i32
        %dma_wait3A_147 = tpu.memref_slice %arg4[%dma_wait3A_146] : memref<640000xi32, #tpu.memory_space<hbm>> -> memref<64xi32, #tpu.memory_space<hbm>>
        tpu.wait_dma2 semaphore(%arg17 : memref<!tpu.dma_semaphore, #tpu.memory_space<semaphore_mem>>) src(%dma_wait3A_147 : memref<64xi32, #tpu.memory_space<hbm>>) dst(%arg8 : memref<64xi32, #tpu.memory_space<vmem>>)
        %dma_start3A_148 = arith.constant 0 : i32
        %dma_start3A_149 = arith.constant 0 : i32
        %dma_start3A_150 = tpu.memref_slice %arg2[%dma_start3A_148, %dma_start3A_149] : memref<10000x128xf32, #tpu.memory_space<hbm>> -> memref<10000x128xf32, #tpu.memory_space<hbm>>
        tpu.enqueue_indirect_dma source(%dma_start3A_150 : memref<10000x128xf32, #tpu.memory_space<hbm>>) target(%arg10 : memref<64x128xf32, #tpu.memory_space<vmem>>) offsets(%arg8 : memref<64xi32, #tpu.memory_space<vmem>>) semaphore(%arg20 : memref<!tpu.dma_semaphore, #tpu.memory_space<semaphore_mem>>)
      } else {
      }
      %dma_wait3A_109 = arith.constant 0 : i32
      %dma_wait3A_110 = arith.constant 0 : i32
      %dma_wait3A_111 = tpu.memref_slice %arg3[%dma_wait3A_109, %dma_wait3A_110] : memref<320000x128xf32, #tpu.memory_space<hbm>> -> memref<64x128xf32, #tpu.memory_space<hbm>>
      %dma_wait3A_112 = arith.constant 0 : i32
      %dma_wait3A_113 = arith.constant 0 : i32
      %dma_wait3A_114 = tpu.memref_slice %arg3[%dma_wait3A_112, %dma_wait3A_113] : memref<320000x128xf32, #tpu.memory_space<hbm>> -> memref<64x128xf32, #tpu.memory_space<hbm>>
      tpu.wait_dma2 semaphore(%arg24 : memref<!tpu.dma_semaphore, #tpu.memory_space<semaphore_mem>>) src(%dma_wait3A_114 : memref<64x128xf32, #tpu.memory_space<hbm>>) dst(%arg15 : memref<64x128xf32, #tpu.memory_space<vmem>>)
      %parallel_loop3A_115 = arith.constant 0 : i32
      %parallel_loop3A_116 = arith.constant 64 : i32
      %parallel_loop3A_117 = arith.constant 1 : i32
      scf.for %parallel_loop3A_125 = %parallel_loop3A_115 to %parallel_loop3A_116 step %parallel_loop3A_117  : i32 {
        %parallel_loop3A_126 = arith.index_cast %parallel_loop3A_125 : i32 to index
        %parallel_loop3A_127 = arith.constant 0 : index
        %parallel_loop3A_128 = tpu.vector_load %arg14[%parallel_loop3A_126, %parallel_loop3A_127] {strides = array<i32>} : memref<64x128xf32, #tpu.memory_space<vmem>>, vector<1x16xf32>,
        %parallel_loop3A_129 = vector.shape_cast %parallel_loop3A_128 : vector<1x16xf32> to vector<16xf32>
        %parallel_loop3A_130 = arith.index_cast %parallel_loop3A_125 : i32 to index
        %parallel_loop3A_131 = arith.constant 0 : index
        %parallel_loop3A_132 = tpu.vector_load %arg15[%parallel_loop3A_130, %parallel_loop3A_131] {strides = array<i32>} : memref<64x128xf32, #tpu.memory_space<vmem>>, vector<1x16xf32>,
        %parallel_loop3A_133 = vector.shape_cast %parallel_loop3A_132 : vector<1x16xf32> to vector<16xf32>
        %parallel_loop3A_134 = arith.mulf %parallel_loop3A_129, %parallel_loop3A_133 : vector<16xf32>
        %parallel_loop3A_135 = arith.index_cast %parallel_loop3A_125 : i32 to index
        %parallel_loop3A_136 = arith.constant 0 : index
        %parallel_loop3A_137 = tpu.vector_load %arg14[%parallel_loop3A_135, %parallel_loop3A_136] {strides = array<i32>} : memref<64x128xf32, #tpu.memory_space<vmem>>, vector<1x16xf32>,
        %parallel_loop3A_138 = vector.shape_cast %parallel_loop3A_137 : vector<1x16xf32> to vector<16xf32>
        %parallel_loop3A_139 = vector.shape_cast %parallel_loop3A_134 : vector<16xf32> to vector<1x16xf32>
        tpu.vector_store %arg14[%parallel_loop3A_135, %parallel_loop3A_136], %parallel_loop3A_139 {strides = array<i32>} : memref<64x128xf32, #tpu.memory_space<vmem>>, vector<1x16xf32>,
        %parallel_loop3A_140 = arith.index_cast %parallel_loop3A_125 : i32 to index
        %parallel_loop3A_141 = arith.constant 16 : index
        %parallel_loop3A_142 = tpu.vector_load %arg14[%parallel_loop3A_140, %parallel_loop3A_141] {strides = array<i32>} : memref<64x128xf32, #tpu.memory_space<vmem>>, vector<1x16xf32>,
        %parallel_loop3A_143 = vector.shape_cast %parallel_loop3A_142 : vector<1x16xf32> to vector<16xf32>
        %parallel_loop3A_144 = arith.index_cast %parallel_loop3A_125 : i32 to index
        %parallel_loop3A_145 = arith.constant 16 : index
        %parallel_loop3A_146 = tpu.vector_load %arg15[%parallel_loop3A_144, %parallel_loop3A_145] {strides = array<i32>} : memref<64x128xf32, #tpu.memory_space<vmem>>, vector<1x16xf32>,
        %parallel_loop3A_147 = vector.shape_cast %parallel_loop3A_146 : vector<1x16xf32> to vector<16xf32>
        %parallel_loop3A_148 = arith.mulf %parallel_loop3A_143, %parallel_loop3A_147 : vector<16xf32>
        %parallel_loop3A_149 = arith.index_cast %parallel_loop3A_125 : i32 to index
        %parallel_loop3A_150 = arith.constant 16 : index
        %parallel_loop3A_151 = tpu.vector_load %arg14[%parallel_loop3A_149, %parallel_loop3A_150] {strides = array<i32>} : memref<64x128xf32, #tpu.memory_space<vmem>>, vector<1x16xf32>,
        %parallel_loop3A_152 = vector.shape_cast %parallel_loop3A_151 : vector<1x16xf32> to vector<16xf32>
        %parallel_loop3A_153 = vector.shape_cast %parallel_loop3A_148 : vector<16xf32> to vector<1x16xf32>
        tpu.vector_store %arg14[%parallel_loop3A_149, %parallel_loop3A_150], %parallel_loop3A_153 {strides = array<i32>} : memref<64x128xf32, #tpu.memory_space<vmem>>, vector<1x16xf32>,
        %parallel_loop3A_154 = arith.index_cast %parallel_loop3A_125 : i32 to index
        %parallel_loop3A_155 = arith.constant 32 : index
        %parallel_loop3A_156 = tpu.vector_load %arg14[%parallel_loop3A_154, %parallel_loop3A_155] {strides = array<i32>} : memref<64x128xf32, #tpu.memory_space<vmem>>, vector<1x16xf32>,
        %parallel_loop3A_157 = vector.shape_cast %parallel_loop3A_156 : vector<1x16xf32> to vector<16xf32>
        %parallel_loop3A_158 = arith.index_cast %parallel_loop3A_125 : i32 to index
        %parallel_loop3A_159 = arith.constant 32 : index
        %parallel_loop3A_160 = tpu.vector_load %arg15[%parallel_loop3A_158, %parallel_loop3A_159] {strides = array<i32>} : memref<64x128xf32, #tpu.memory_space<vmem>>, vector<1x16xf32>,
        %parallel_loop3A_161 = vector.shape_cast %parallel_loop3A_160 : vector<1x16xf32> to vector<16xf32>
        %parallel_loop3A_162 = arith.mulf %parallel_loop3A_157, %parallel_loop3A_161 : vector<16xf32>
        %parallel_loop3A_163 = arith.index_cast %parallel_loop3A_125 : i32 to index
        %parallel_loop3A_164 = arith.constant 32 : index
        %parallel_loop3A_165 = tpu.vector_load %arg14[%parallel_loop3A_163, %parallel_loop3A_164] {strides = array<i32>} : memref<64x128xf32, #tpu.memory_space<vmem>>, vector<1x16xf32>,
        %parallel_loop3A_166 = vector.shape_cast %parallel_loop3A_165 : vector<1x16xf32> to vector<16xf32>
        %parallel_loop3A_167 = vector.shape_cast %parallel_loop3A_162 : vector<16xf32> to vector<1x16xf32>
        tpu.vector_store %arg14[%parallel_loop3A_163, %parallel_loop3A_164], %parallel_loop3A_167 {strides = array<i32>} : memref<64x128xf32, #tpu.memory_space<vmem>>, vector<1x16xf32>,
        %parallel_loop3A_168 = arith.index_cast %parallel_loop3A_125 : i32 to index
        %parallel_loop3A_169 = arith.constant 48 : index
        %parallel_loop3A_170 = tpu.vector_load %arg14[%parallel_loop3A_168, %parallel_loop3A_169] {strides = array<i32>} : memref<64x128xf32, #tpu.memory_space<vmem>>, vector<1x16xf32>,
        %parallel_loop3A_171 = vector.shape_cast %parallel_loop3A_170 : vector<1x16xf32> to vector<16xf32>
        %parallel_loop3A_172 = arith.index_cast %parallel_loop3A_125 : i32 to index
        %parallel_loop3A_173 = arith.constant 48 : index
        %parallel_loop3A_174 = tpu.vector_load %arg15[%parallel_loop3A_172, %parallel_loop3A_173] {strides = array<i32>} : memref<64x128xf32, #tpu.memory_space<vmem>>, vector<1x16xf32>,
        %parallel_loop3A_175 = vector.shape_cast %parallel_loop3A_174 : vector<1x16xf32> to vector<16xf32>
        %parallel_loop3A_176 = arith.mulf %parallel_loop3A_171, %parallel_loop3A_175 : vector<16xf32>
        %parallel_loop3A_177 = arith.index_cast %parallel_loop3A_125 : i32 to index
        %parallel_loop3A_178 = arith.constant 48 : index
        %parallel_loop3A_179 = tpu.vector_load %arg14[%parallel_loop3A_177, %parallel_loop3A_178] {strides = array<i32>} : memref<64x128xf32, #tpu.memory_space<vmem>>, vector<1x16xf32>,
        %parallel_loop3A_180 = vector.shape_cast %parallel_loop3A_179 : vector<1x16xf32> to vector<16xf32>
        %parallel_loop3A_181 = vector.shape_cast %parallel_loop3A_176 : vector<16xf32> to vector<1x16xf32>
        tpu.vector_store %arg14[%parallel_loop3A_177, %parallel_loop3A_178], %parallel_loop3A_181 {strides = array<i32>} : memref<64x128xf32, #tpu.memory_space<vmem>>, vector<1x16xf32>,
        %parallel_loop3A_182 = arith.index_cast %parallel_loop3A_125 : i32 to index
        %parallel_loop3A_183 = arith.constant 64 : index
        %parallel_loop3A_184 = tpu.vector_load %arg14[%parallel_loop3A_182, %parallel_loop3A_183] {strides = array<i32>} : memref<64x128xf32, #tpu.memory_space<vmem>>, vector<1x16xf32>,
        %parallel_loop3A_185 = vector.shape_cast %parallel_loop3A_184 : vector<1x16xf32> to vector<16xf32>
        %parallel_loop3A_186 = arith.index_cast %parallel_loop3A_125 : i32 to index
        %parallel_loop3A_187 = arith.constant 64 : index
        %parallel_loop3A_188 = tpu.vector_load %arg15[%parallel_loop3A_186, %parallel_loop3A_187] {strides = array<i32>} : memref<64x128xf32, #tpu.memory_space<vmem>>, vector<1x16xf32>,
        %parallel_loop3A_189 = vector.shape_cast %parallel_loop3A_188 : vector<1x16xf32> to vector<16xf32>
        %parallel_loop3A_190 = arith.mulf %parallel_loop3A_185, %parallel_loop3A_189 : vector<16xf32>
        %parallel_loop3A_191 = arith.index_cast %parallel_loop3A_125 : i32 to index
        %parallel_loop3A_192 = arith.constant 64 : index
        %parallel_loop3A_193 = tpu.vector_load %arg14[%parallel_loop3A_191, %parallel_loop3A_192] {strides = array<i32>} : memref<64x128xf32, #tpu.memory_space<vmem>>, vector<1x16xf32>,
        %parallel_loop3A_194 = vector.shape_cast %parallel_loop3A_193 : vector<1x16xf32> to vector<16xf32>
        %parallel_loop3A_195 = vector.shape_cast %parallel_loop3A_190 : vector<16xf32> to vector<1x16xf32>
        tpu.vector_store %arg14[%parallel_loop3A_191, %parallel_loop3A_192], %parallel_loop3A_195 {strides = array<i32>} : memref<64x128xf32, #tpu.memory_space<vmem>>, vector<1x16xf32>,
        %parallel_loop3A_196 = arith.index_cast %parallel_loop3A_125 : i32 to index
        %parallel_loop3A_197 = arith.constant 80 : index
        %parallel_loop3A_198 = tpu.vector_load %arg14[%parallel_loop3A_196, %parallel_loop3A_197] {strides = array<i32>} : memref<64x128xf32, #tpu.memory_space<vmem>>, vector<1x16xf32>,
        %parallel_loop3A_199 = vector.shape_cast %parallel_loop3A_198 : vector<1x16xf32> to vector<16xf32>
        %parallel_loop3A_200 = arith.index_cast %parallel_loop3A_125 : i32 to index
        %parallel_loop3A_201 = arith.constant 80 : index
        %parallel_loop3A_202 = tpu.vector_load %arg15[%parallel_loop3A_200, %parallel_loop3A_201] {strides = array<i32>} : memref<64x128xf32, #tpu.memory_space<vmem>>, vector<1x16xf32>,
        %parallel_loop3A_203 = vector.shape_cast %parallel_loop3A_202 : vector<1x16xf32> to vector<16xf32>
        %parallel_loop3A_204 = arith.mulf %parallel_loop3A_199, %parallel_loop3A_203 : vector<16xf32>
        %parallel_loop3A_205 = arith.index_cast %parallel_loop3A_125 : i32 to index
        %parallel_loop3A_206 = arith.constant 80 : index
        %parallel_loop3A_207 = tpu.vector_load %arg14[%parallel_loop3A_205, %parallel_loop3A_206] {strides = array<i32>} : memref<64x128xf32, #tpu.memory_space<vmem>>, vector<1x16xf32>,
        %parallel_loop3A_208 = vector.shape_cast %parallel_loop3A_207 : vector<1x16xf32> to vector<16xf32>
        %parallel_loop3A_209 = vector.shape_cast %parallel_loop3A_204 : vector<16xf32> to vector<1x16xf32>
        tpu.vector_store %arg14[%parallel_loop3A_205, %parallel_loop3A_206], %parallel_loop3A_209 {strides = array<i32>} : memref<64x128xf32, #tpu.memory_space<vmem>>, vector<1x16xf32>,
        %parallel_loop3A_210 = arith.index_cast %parallel_loop3A_125 : i32 to index
        %parallel_loop3A_211 = arith.constant 96 : index
        %parallel_loop3A_212 = tpu.vector_load %arg14[%parallel_loop3A_210, %parallel_loop3A_211] {strides = array<i32>} : memref<64x128xf32, #tpu.memory_space<vmem>>, vector<1x16xf32>,
        %parallel_loop3A_213 = vector.shape_cast %parallel_loop3A_212 : vector<1x16xf32> to vector<16xf32>
        %parallel_loop3A_214 = arith.index_cast %parallel_loop3A_125 : i32 to index
        %parallel_loop3A_215 = arith.constant 96 : index
        %parallel_loop3A_216 = tpu.vector_load %arg15[%parallel_loop3A_214, %parallel_loop3A_215] {strides = array<i32>} : memref<64x128xf32, #tpu.memory_space<vmem>>, vector<1x16xf32>,
        %parallel_loop3A_217 = vector.shape_cast %parallel_loop3A_216 : vector<1x16xf32> to vector<16xf32>
        %parallel_loop3A_218 = arith.mulf %parallel_loop3A_213, %parallel_loop3A_217 : vector<16xf32>
        %parallel_loop3A_219 = arith.index_cast %parallel_loop3A_125 : i32 to index
        %parallel_loop3A_220 = arith.constant 96 : index
        %parallel_loop3A_221 = tpu.vector_load %arg14[%parallel_loop3A_219, %parallel_loop3A_220] {strides = array<i32>} : memref<64x128xf32, #tpu.memory_space<vmem>>, vector<1x16xf32>,
        %parallel_loop3A_222 = vector.shape_cast %parallel_loop3A_221 : vector<1x16xf32> to vector<16xf32>
        %parallel_loop3A_223 = vector.shape_cast %parallel_loop3A_218 : vector<16xf32> to vector<1x16xf32>
        tpu.vector_store %arg14[%parallel_loop3A_219, %parallel_loop3A_220], %parallel_loop3A_223 {strides = array<i32>} : memref<64x128xf32, #tpu.memory_space<vmem>>, vector<1x16xf32>,
        %parallel_loop3A_224 = arith.index_cast %parallel_loop3A_125 : i32 to index
        %parallel_loop3A_225 = arith.constant 112 : index
        %parallel_loop3A_226 = tpu.vector_load %arg14[%parallel_loop3A_224, %parallel_loop3A_225] {strides = array<i32>} : memref<64x128xf32, #tpu.memory_space<vmem>>, vector<1x16xf32>,
        %parallel_loop3A_227 = vector.shape_cast %parallel_loop3A_226 : vector<1x16xf32> to vector<16xf32>
        %parallel_loop3A_228 = arith.index_cast %parallel_loop3A_125 : i32 to index
        %parallel_loop3A_229 = arith.constant 112 : index
        %parallel_loop3A_230 = tpu.vector_load %arg15[%parallel_loop3A_228, %parallel_loop3A_229] {strides = array<i32>} : memref<64x128xf32, #tpu.memory_space<vmem>>, vector<1x16xf32>,
        %parallel_loop3A_231 = vector.shape_cast %parallel_loop3A_230 : vector<1x16xf32> to vector<16xf32>
        %parallel_loop3A_232 = arith.mulf %parallel_loop3A_227, %parallel_loop3A_231 : vector<16xf32>
        %parallel_loop3A_233 = arith.index_cast %parallel_loop3A_125 : i32 to index
        %parallel_loop3A_234 = arith.constant 112 : index
        %parallel_loop3A_235 = tpu.vector_load %arg14[%parallel_loop3A_233, %parallel_loop3A_234] {strides = array<i32>} : memref<64x128xf32, #tpu.memory_space<vmem>>, vector<1x16xf32>,
        %parallel_loop3A_236 = vector.shape_cast %parallel_loop3A_235 : vector<1x16xf32> to vector<16xf32>
        %parallel_loop3A_237 = vector.shape_cast %parallel_loop3A_232 : vector<16xf32> to vector<1x16xf32>
        tpu.vector_store %arg14[%parallel_loop3A_233, %parallel_loop3A_234], %parallel_loop3A_237 {strides = array<i32>} : memref<64x128xf32, #tpu.memory_space<vmem>>, vector<1x16xf32>,
      } {sc.loop_unroll_factor = 4 : i64, sc.parallel_access}
      %dma_wait3A_118 = arith.constant 0 : i32
      %dma_wait3A_119 = tpu.memref_slice %arg4[%dma_wait3A_118] : memref<640000xi32, #tpu.memory_space<hbm>> -> memref<64xi32, #tpu.memory_space<hbm>>
      %dma_wait3A_120 = arith.constant 0 : i32
      %dma_wait3A_121 = tpu.memref_slice %arg4[%dma_wait3A_120] : memref<640000xi32, #tpu.memory_space<hbm>> -> memref<64xi32, #tpu.memory_space<hbm>>
      tpu.wait_dma2 semaphore(%arg23 : memref<!tpu.dma_semaphore, #tpu.memory_space<semaphore_mem>>) src(%dma_wait3A_121 : memref<64xi32, #tpu.memory_space<hbm>>) dst(%arg13 : memref<64xi32, #tpu.memory_space<vmem>>)
      %dma_start3A_122 = arith.constant 0 : i32
      %dma_start3A_123 = arith.constant 0 : i32
      %dma_start3A_124 = tpu.memref_slice %arg16[%dma_start3A_122, %dma_start3A_123] : memref<10240x128xf32, #tpu.memory_space<vmem_shared>> -> memref<10240x128xf32, #tpu.memory_space<vmem_shared>>
      tpu.enqueue_indirect_dma source(%arg14 : memref<64x128xf32, #tpu.memory_space<vmem>>) target(%dma_start3A_124 : memref<10240x128xf32, #tpu.memory_space<vmem_shared>>) offsets(%arg13 : memref<64xi32, #tpu.memory_space<vmem>>) semaphore(%arg26 : memref<!tpu.dma_semaphore, #tpu.memory_space<semaphore_mem>>) {add = true}
    }
    %scan3A_25 = arith.constant 78 : i32
    %dma_wait3A_26 = arith.constant 0 : i32
    %dma_wait3A_27 = arith.constant 0 : i32
    %dma_wait3A_28 = tpu.memref_slice %arg16[%dma_wait3A_26, %dma_wait3A_27] : memref<10240x128xf32, #tpu.memory_space<vmem_shared>> -> memref<10240x128xf32, #tpu.memory_space<vmem_shared>>
    tpu.wait_indirect_dma semaphore(%arg26 : memref<!tpu.dma_semaphore, #tpu.memory_space<semaphore_mem>>) src(%arg14 : memref<64x128xf32, #tpu.memory_space<vmem>>) dst(%dma_wait3A_28 : memref<10240x128xf32, #tpu.memory_space<vmem_shared>>)
    %lt3A = arith.constant 8 : i32
    %lt3A_29 = arith.cmpi slt, %add3A, %lt3A : i32
    %convert_element_type3A = arith.extui %lt3A_29 : i1 to i32
    %cond3A = arith.constant 0 : i32
    %cond3A_30 = arith.cmpi ne, %convert_element_type3A, %cond3A : i32
    scf.if %cond3A_30 {
      %add3A_43 = arith.constant 4992 : i32
      %add3A_44 = arith.addi %add3A_43, %add3A : i32
      %mul3A_45 = arith.constant 64 : i32
      %mul3A_46 = arith.muli %add3A_44, %mul3A_45 : i32
      %add3A_47 = arith.constant 320000 : i32
      %add3A_48 = arith.addi %add3A_47, %mul3A_46 : i32
      "tpu.region"() ({
        %run_scoped3A = tpu.sem_alloc : memref<!tpu.dma_semaphore, #tpu.memory_space<semaphore_mem>>
        %dma_start3A_60 = tpu.memref_slice %arg4[%add3A_48] : memref<640000xi32, #tpu.memory_space<hbm>> -> memref<64xi32, #tpu.memory_space<hbm>>
        %dma_start3A_61 = tpu.memref_slice %arg4[%add3A_48] : memref<640000xi32, #tpu.memory_space<hbm>> -> memref<64xi32, #tpu.memory_space<hbm>>
        tpu.enqueue_dma source(%dma_start3A_61 : memref<64xi32, #tpu.memory_space<hbm>>) target(%arg8 : memref<64xi32, #tpu.memory_space<vmem>>) target_semaphore(%run_scoped3A : memref<!tpu.dma_semaphore, #tpu.memory_space<semaphore_mem>>)
        %dma_wait3A_62 = tpu.memref_slice %arg4[%add3A_48] : memref<640000xi32, #tpu.memory_space<hbm>> -> memref<64xi32, #tpu.memory_space<hbm>>
        %dma_wait3A_63 = tpu.memref_slice %arg4[%add3A_48] : memref<640000xi32, #tpu.memory_space<hbm>> -> memref<64xi32, #tpu.memory_space<hbm>>
        tpu.wait_dma2 semaphore(%run_scoped3A : memref<!tpu.dma_semaphore, #tpu.memory_space<semaphore_mem>>) src(%dma_wait3A_63 : memref<64xi32, #tpu.memory_space<hbm>>) dst(%arg8 : memref<64xi32, #tpu.memory_space<vmem>>)
        tpu.yield
      }) : () -> ()
      "tpu.region"() ({
        %run_scoped3A = tpu.sem_alloc : memref<!tpu.dma_semaphore, #tpu.memory_space<semaphore_mem>>
        %dma_start3A_60 = tpu.memref_slice %arg4[%mul3A_46] : memref<640000xi32, #tpu.memory_space<hbm>> -> memref<64xi32, #tpu.memory_space<hbm>>
        %dma_start3A_61 = tpu.memref_slice %arg4[%mul3A_46] : memref<640000xi32, #tpu.memory_space<hbm>> -> memref<64xi32, #tpu.memory_space<hbm>>
        tpu.enqueue_dma source(%dma_start3A_61 : memref<64xi32, #tpu.memory_space<hbm>>) target(%arg9 : memref<64xi32, #tpu.memory_space<vmem>>) target_semaphore(%run_scoped3A : memref<!tpu.dma_semaphore, #tpu.memory_space<semaphore_mem>>)
        %dma_wait3A_62 = tpu.memref_slice %arg4[%mul3A_46] : memref<640000xi32, #tpu.memory_space<hbm>> -> memref<64xi32, #tpu.memory_space<hbm>>
        %dma_wait3A_63 = tpu.memref_slice %arg4[%mul3A_46] : memref<640000xi32, #tpu.memory_space<hbm>> -> memref<64xi32, #tpu.memory_space<hbm>>
        tpu.wait_dma2 semaphore(%run_scoped3A : memref<!tpu.dma_semaphore, #tpu.memory_space<semaphore_mem>>) src(%dma_wait3A_63 : memref<64xi32, #tpu.memory_space<hbm>>) dst(%arg9 : memref<64xi32, #tpu.memory_space<vmem>>)
        tpu.yield
      }) : () -> ()
      "tpu.region"() ({
        %run_scoped3A = tpu.sem_alloc : memref<!tpu.dma_semaphore, #tpu.memory_space<semaphore_mem>>
        %dma_start3A_60 = arith.constant 0 : i32
        %dma_start3A_61 = tpu.memref_slice %arg3[%mul3A_46, %dma_start3A_60] : memref<320000x128xf32, #tpu.memory_space<hbm>> -> memref<64x128xf32, #tpu.memory_space<hbm>>
        %dma_start3A_62 = arith.constant 0 : i32
        %dma_start3A_63 = tpu.memref_slice %arg3[%mul3A_46, %dma_start3A_62] : memref<320000x128xf32, #tpu.memory_space<hbm>> -> memref<64x128xf32, #tpu.memory_space<hbm>>
        tpu.enqueue_dma source(%dma_start3A_63 : memref<64x128xf32, #tpu.memory_space<hbm>>) target(%arg11 : memref<64x128xf32, #tpu.memory_space<vmem>>) target_semaphore(%run_scoped3A : memref<!tpu.dma_semaphore, #tpu.memory_space<semaphore_mem>>)
        %dma_wait3A_64 = arith.constant 0 : i32
        %dma_wait3A_65 = tpu.memref_slice %arg3[%mul3A_46, %dma_wait3A_64] : memref<320000x128xf32, #tpu.memory_space<hbm>> -> memref<64x128xf32, #tpu.memory_space<hbm>>
        %dma_wait3A_66 = arith.constant 0 : i32
        %dma_wait3A_67 = tpu.memref_slice %arg3[%mul3A_46, %dma_wait3A_66] : memref<320000x128xf32, #tpu.memory_space<hbm>> -> memref<64x128xf32, #tpu.memory_space<hbm>>
        tpu.wait_dma2 semaphore(%run_scoped3A : memref<!tpu.dma_semaphore, #tpu.memory_space<semaphore_mem>>) src(%dma_wait3A_67 : memref<64x128xf32, #tpu.memory_space<hbm>>) dst(%arg11 : memref<64x128xf32, #tpu.memory_space<vmem>>)
        tpu.yield
      }) : () -> ()
      %dma_start3A_49 = arith.constant 0 : i32
      %dma_start3A_50 = arith.constant 0 : i32
      %dma_start3A_51 = tpu.memref_slice %arg2[%dma_start3A_49, %dma_start3A_50] : memref<10000x128xf32, #tpu.memory_space<hbm>> -> memref<10000x128xf32, #tpu.memory_space<hbm>>
      tpu.enqueue_indirect_dma source(%dma_start3A_51 : memref<10000x128xf32, #tpu.memory_space<hbm>>) target(%arg10 : memref<64x128xf32, #tpu.memory_space<vmem>>) offsets(%arg8 : memref<64xi32, #tpu.memory_space<vmem>>) semaphore(%arg20 : memref<!tpu.dma_semaphore, #tpu.memory_space<semaphore_mem>>)
      %dma_wait3A_52 = arith.constant 0 : i32
      %dma_wait3A_53 = arith.constant 0 : i32
      %dma_wait3A_54 = tpu.memref_slice %arg2[%dma_wait3A_52, %dma_wait3A_53] : memref<10000x128xf32, #tpu.memory_space<hbm>> -> memref<10000x128xf32, #tpu.memory_space<hbm>>
      tpu.wait_indirect_dma semaphore(%arg20 : memref<!tpu.dma_semaphore, #tpu.memory_space<semaphore_mem>>) src(%dma_wait3A_54 : memref<10000x128xf32, #tpu.memory_space<hbm>>) dst(%arg10 : memref<64x128xf32, #tpu.memory_space<vmem>>)
      %scan3A_55 = arith.constant 0 : i32
      %scan3A_56 = arith.constant 64 : i32
      %scan3A_57 = arith.addi %scan3A_55, %scan3A_56 : i32
      %scan3A_58 = arith.constant 1 : i32
      scf.for %scan3A_60 = %scan3A_55 to %scan3A_57 step %scan3A_58  : i32 {
        %mul3A_61 = arith.constant 1 : i32
        %mul3A_62 = arith.muli %scan3A_60, %mul3A_61 : i32
        %add3A_63 = arith.constant 0 : i32
        %add3A_64 = arith.addi %add3A_63, %mul3A_62 : i32
        %get3A = arith.index_cast %add3A_64 : i32 to index
        %get3A_65 = arith.constant 0 : index
        %get3A_66 = tpu.vector_load %arg10[%get3A, %get3A_65] {strides = array<i32>} : memref<64x128xf32, #tpu.memory_space<vmem>>, vector<1x16xf32>,
        %get3A_67 = vector.shape_cast %get3A_66 : vector<1x16xf32> to vector<16xf32>
        %get3A_68 = arith.index_cast %add3A_64 : i32 to index
        %get3A_69 = arith.constant 0 : index
        %get3A_70 = tpu.vector_load %arg11[%get3A_68, %get3A_69] {strides = array<i32>} : memref<64x128xf32, #tpu.memory_space<vmem>>, vector<1x16xf32>,
        %get3A_71 = vector.shape_cast %get3A_70 : vector<1x16xf32> to vector<16xf32>
        %mul3A_72 = arith.mulf %get3A_67, %get3A_71 : vector<16xf32>
        %swap3A = arith.index_cast %add3A_64 : i32 to index
        %swap3A_73 = arith.constant 0 : index
        %swap3A_74 = tpu.vector_load %arg10[%swap3A, %swap3A_73] {strides = array<i32>} : memref<64x128xf32, #tpu.memory_space<vmem>>, vector<1x16xf32>,
        %swap3A_75 = vector.shape_cast %swap3A_74 : vector<1x16xf32> to vector<16xf32>
        %swap3A_76 = vector.shape_cast %mul3A_72 : vector<16xf32> to vector<1x16xf32>
        tpu.vector_store %arg10[%swap3A, %swap3A_73], %swap3A_76 {strides = array<i32>} : memref<64x128xf32, #tpu.memory_space<vmem>>, vector<1x16xf32>,
        %get3A_77 = arith.index_cast %add3A_64 : i32 to index
        %get3A_78 = arith.constant 16 : index
        %get3A_79 = tpu.vector_load %arg10[%get3A_77, %get3A_78] {strides = array<i32>} : memref<64x128xf32, #tpu.memory_space<vmem>>, vector<1x16xf32>,
        %get3A_80 = vector.shape_cast %get3A_79 : vector<1x16xf32> to vector<16xf32>
        %get3A_81 = arith.index_cast %add3A_64 : i32 to index
        %get3A_82 = arith.constant 16 : index
        %get3A_83 = tpu.vector_load %arg11[%get3A_81, %get3A_82] {strides = array<i32>} : memref<64x128xf32, #tpu.memory_space<vmem>>, vector<1x16xf32>,
        %get3A_84 = vector.shape_cast %get3A_83 : vector<1x16xf32> to vector<16xf32>
        %mul3A_85 = arith.mulf %get3A_80, %get3A_84 : vector<16xf32>
        %swap3A_86 = arith.index_cast %add3A_64 : i32 to index
        %swap3A_87 = arith.constant 16 : index
        %swap3A_88 = tpu.vector_load %arg10[%swap3A_86, %swap3A_87] {strides = array<i32>} : memref<64x128xf32, #tpu.memory_space<vmem>>, vector<1x16xf32>,
        %swap3A_89 = vector.shape_cast %swap3A_88 : vector<1x16xf32> to vector<16xf32>
        %swap3A_90 = vector.shape_cast %mul3A_85 : vector<16xf32> to vector<1x16xf32>
        tpu.vector_store %arg10[%swap3A_86, %swap3A_87], %swap3A_90 {strides = array<i32>} : memref<64x128xf32, #tpu.memory_space<vmem>>, vector<1x16xf32>,
        %get3A_91 = arith.index_cast %add3A_64 : i32 to index
        %get3A_92 = arith.constant 32 : index
        %get3A_93 = tpu.vector_load %arg10[%get3A_91, %get3A_92] {strides = array<i32>} : memref<64x128xf32, #tpu.memory_space<vmem>>, vector<1x16xf32>,
        %get3A_94 = vector.shape_cast %get3A_93 : vector<1x16xf32> to vector<16xf32>
        %get3A_95 = arith.index_cast %add3A_64 : i32 to index
        %get3A_96 = arith.constant 32 : index
        %get3A_97 = tpu.vector_load %arg11[%get3A_95, %get3A_96] {strides = array<i32>} : memref<64x128xf32, #tpu.memory_space<vmem>>, vector<1x16xf32>,
        %get3A_98 = vector.shape_cast %get3A_97 : vector<1x16xf32> to vector<16xf32>
        %mul3A_99 = arith.mulf %get3A_94, %get3A_98 : vector<16xf32>
        %swap3A_100 = arith.index_cast %add3A_64 : i32 to index
        %swap3A_101 = arith.constant 32 : index
        %swap3A_102 = tpu.vector_load %arg10[%swap3A_100, %swap3A_101] {strides = array<i32>} : memref<64x128xf32, #tpu.memory_space<vmem>>, vector<1x16xf32>,
        %swap3A_103 = vector.shape_cast %swap3A_102 : vector<1x16xf32> to vector<16xf32>
        %swap3A_104 = vector.shape_cast %mul3A_99 : vector<16xf32> to vector<1x16xf32>
        tpu.vector_store %arg10[%swap3A_100, %swap3A_101], %swap3A_104 {strides = array<i32>} : memref<64x128xf32, #tpu.memory_space<vmem>>, vector<1x16xf32>,
        %get3A_105 = arith.index_cast %add3A_64 : i32 to index
        %get3A_106 = arith.constant 48 : index
        %get3A_107 = tpu.vector_load %arg10[%get3A_105, %get3A_106] {strides = array<i32>} : memref<64x128xf32, #tpu.memory_space<vmem>>, vector<1x16xf32>,
        %get3A_108 = vector.shape_cast %get3A_107 : vector<1x16xf32> to vector<16xf32>
        %get3A_109 = arith.index_cast %add3A_64 : i32 to index
        %get3A_110 = arith.constant 48 : index
        %get3A_111 = tpu.vector_load %arg11[%get3A_109, %get3A_110] {strides = array<i32>} : memref<64x128xf32, #tpu.memory_space<vmem>>, vector<1x16xf32>,
        %get3A_112 = vector.shape_cast %get3A_111 : vector<1x16xf32> to vector<16xf32>
        %mul3A_113 = arith.mulf %get3A_108, %get3A_112 : vector<16xf32>
        %swap3A_114 = arith.index_cast %add3A_64 : i32 to index
        %swap3A_115 = arith.constant 48 : index
        %swap3A_116 = tpu.vector_load %arg10[%swap3A_114, %swap3A_115] {strides = array<i32>} : memref<64x128xf32, #tpu.memory_space<vmem>>, vector<1x16xf32>,
        %swap3A_117 = vector.shape_cast %swap3A_116 : vector<1x16xf32> to vector<16xf32>
        %swap3A_118 = vector.shape_cast %mul3A_113 : vector<16xf32> to vector<1x16xf32>
        tpu.vector_store %arg10[%swap3A_114, %swap3A_115], %swap3A_118 {strides = array<i32>} : memref<64x128xf32, #tpu.memory_space<vmem>>, vector<1x16xf32>,
        %get3A_119 = arith.index_cast %add3A_64 : i32 to index
        %get3A_120 = arith.constant 64 : index
        %get3A_121 = tpu.vector_load %arg10[%get3A_119, %get3A_120] {strides = array<i32>} : memref<64x128xf32, #tpu.memory_space<vmem>>, vector<1x16xf32>,
        %get3A_122 = vector.shape_cast %get3A_121 : vector<1x16xf32> to vector<16xf32>
        %get3A_123 = arith.index_cast %add3A_64 : i32 to index
        %get3A_124 = arith.constant 64 : index
        %get3A_125 = tpu.vector_load %arg11[%get3A_123, %get3A_124] {strides = array<i32>} : memref<64x128xf32, #tpu.memory_space<vmem>>, vector<1x16xf32>,
        %get3A_126 = vector.shape_cast %get3A_125 : vector<1x16xf32> to vector<16xf32>
        %mul3A_127 = arith.mulf %get3A_122, %get3A_126 : vector<16xf32>
        %swap3A_128 = arith.index_cast %add3A_64 : i32 to index
        %swap3A_129 = arith.constant 64 : index
        %swap3A_130 = tpu.vector_load %arg10[%swap3A_128, %swap3A_129] {strides = array<i32>} : memref<64x128xf32, #tpu.memory_space<vmem>>, vector<1x16xf32>,
        %swap3A_131 = vector.shape_cast %swap3A_130 : vector<1x16xf32> to vector<16xf32>
        %swap3A_132 = vector.shape_cast %mul3A_127 : vector<16xf32> to vector<1x16xf32>
        tpu.vector_store %arg10[%swap3A_128, %swap3A_129], %swap3A_132 {strides = array<i32>} : memref<64x128xf32, #tpu.memory_space<vmem>>, vector<1x16xf32>,
        %get3A_133 = arith.index_cast %add3A_64 : i32 to index
        %get3A_134 = arith.constant 80 : index
        %get3A_135 = tpu.vector_load %arg10[%get3A_133, %get3A_134] {strides = array<i32>} : memref<64x128xf32, #tpu.memory_space<vmem>>, vector<1x16xf32>,
        %get3A_136 = vector.shape_cast %get3A_135 : vector<1x16xf32> to vector<16xf32>
        %get3A_137 = arith.index_cast %add3A_64 : i32 to index
        %get3A_138 = arith.constant 80 : index
        %get3A_139 = tpu.vector_load %arg11[%get3A_137, %get3A_138] {strides = array<i32>} : memref<64x128xf32, #tpu.memory_space<vmem>>, vector<1x16xf32>,
        %get3A_140 = vector.shape_cast %get3A_139 : vector<1x16xf32> to vector<16xf32>
        %mul3A_141 = arith.mulf %get3A_136, %get3A_140 : vector<16xf32>
        %swap3A_142 = arith.index_cast %add3A_64 : i32 to index
        %swap3A_143 = arith.constant 80 : index
        %swap3A_144 = tpu.vector_load %arg10[%swap3A_142, %swap3A_143] {strides = array<i32>} : memref<64x128xf32, #tpu.memory_space<vmem>>, vector<1x16xf32>,
        %swap3A_145 = vector.shape_cast %swap3A_144 : vector<1x16xf32> to vector<16xf32>
        %swap3A_146 = vector.shape_cast %mul3A_141 : vector<16xf32> to vector<1x16xf32>
        tpu.vector_store %arg10[%swap3A_142, %swap3A_143], %swap3A_146 {strides = array<i32>} : memref<64x128xf32, #tpu.memory_space<vmem>>, vector<1x16xf32>,
        %get3A_147 = arith.index_cast %add3A_64 : i32 to index
        %get3A_148 = arith.constant 96 : index
        %get3A_149 = tpu.vector_load %arg10[%get3A_147, %get3A_148] {strides = array<i32>} : memref<64x128xf32, #tpu.memory_space<vmem>>, vector<1x16xf32>,
        %get3A_150 = vector.shape_cast %get3A_149 : vector<1x16xf32> to vector<16xf32>
        %get3A_151 = arith.index_cast %add3A_64 : i32 to index
        %get3A_152 = arith.constant 96 : index
        %get3A_153 = tpu.vector_load %arg11[%get3A_151, %get3A_152] {strides = array<i32>} : memref<64x128xf32, #tpu.memory_space<vmem>>, vector<1x16xf32>,
        %get3A_154 = vector.shape_cast %get3A_153 : vector<1x16xf32> to vector<16xf32>
        %mul3A_155 = arith.mulf %get3A_150, %get3A_154 : vector<16xf32>
        %swap3A_156 = arith.index_cast %add3A_64 : i32 to index
        %swap3A_157 = arith.constant 96 : index
        %swap3A_158 = tpu.vector_load %arg10[%swap3A_156, %swap3A_157] {strides = array<i32>} : memref<64x128xf32, #tpu.memory_space<vmem>>, vector<1x16xf32>,
        %swap3A_159 = vector.shape_cast %swap3A_158 : vector<1x16xf32> to vector<16xf32>
        %swap3A_160 = vector.shape_cast %mul3A_155 : vector<16xf32> to vector<1x16xf32>
        tpu.vector_store %arg10[%swap3A_156, %swap3A_157], %swap3A_160 {strides = array<i32>} : memref<64x128xf32, #tpu.memory_space<vmem>>, vector<1x16xf32>,
        %get3A_161 = arith.index_cast %add3A_64 : i32 to index
        %get3A_162 = arith.constant 112 : index
        %get3A_163 = tpu.vector_load %arg10[%get3A_161, %get3A_162] {strides = array<i32>} : memref<64x128xf32, #tpu.memory_space<vmem>>, vector<1x16xf32>,
        %get3A_164 = vector.shape_cast %get3A_163 : vector<1x16xf32> to vector<16xf32>
        %get3A_165 = arith.index_cast %add3A_64 : i32 to index
        %get3A_166 = arith.constant 112 : index
        %get3A_167 = tpu.vector_load %arg11[%get3A_165, %get3A_166] {strides = array<i32>} : memref<64x128xf32, #tpu.memory_space<vmem>>, vector<1x16xf32>,
        %get3A_168 = vector.shape_cast %get3A_167 : vector<1x16xf32> to vector<16xf32>
        %mul3A_169 = arith.mulf %get3A_164, %get3A_168 : vector<16xf32>
        %swap3A_170 = arith.index_cast %add3A_64 : i32 to index
        %swap3A_171 = arith.constant 112 : index
        %swap3A_172 = tpu.vector_load %arg10[%swap3A_170, %swap3A_171] {strides = array<i32>} : memref<64x128xf32, #tpu.memory_space<vmem>>, vector<1x16xf32>,
        %swap3A_173 = vector.shape_cast %swap3A_172 : vector<1x16xf32> to vector<16xf32>
        %swap3A_174 = vector.shape_cast %mul3A_169 : vector<16xf32> to vector<1x16xf32>
        tpu.vector_store %arg10[%swap3A_170, %swap3A_171], %swap3A_174 {strides = array<i32>} : memref<64x128xf32, #tpu.memory_space<vmem>>, vector<1x16xf32>,
      }
      %scan3A_59 = arith.constant 64 : i32
      "tpu.region"() ({
        %run_scoped3A = tpu.sem_alloc : memref<!tpu.dma_semaphore, #tpu.memory_space<semaphore_mem>>
        %dma_start3A_60 = arith.constant 0 : i32
        %dma_start3A_61 = arith.constant 0 : i32
        %dma_start3A_62 = tpu.memref_slice %arg16[%dma_start3A_60, %dma_start3A_61] : memref<10240x128xf32, #tpu.memory_space<vmem_shared>> -> memref<10240x128xf32, #tpu.memory_space<vmem_shared>>
        tpu.enqueue_indirect_dma source(%arg10 : memref<64x128xf32, #tpu.memory_space<vmem>>) target(%dma_start3A_62 : memref<10240x128xf32, #tpu.memory_space<vmem_shared>>) offsets(%arg9 : memref<64xi32, #tpu.memory_space<vmem>>) semaphore(%run_scoped3A : memref<!tpu.dma_semaphore, #tpu.memory_space<semaphore_mem>>) {add = true}
        %dma_wait3A_63 = arith.constant 0 : i32
        %dma_wait3A_64 = arith.constant 0 : i32
        %dma_wait3A_65 = tpu.memref_slice %arg16[%dma_wait3A_63, %dma_wait3A_64] : memref<10240x128xf32, #tpu.memory_space<vmem_shared>> -> memref<10240x128xf32, #tpu.memory_space<vmem_shared>>
        tpu.wait_indirect_dma semaphore(%run_scoped3A : memref<!tpu.dma_semaphore, #tpu.memory_space<semaphore_mem>>) src(%arg10 : memref<64x128xf32, #tpu.memory_space<vmem>>) dst(%dma_wait3A_65 : memref<10240x128xf32, #tpu.memory_space<vmem_shared>>)
        tpu.yield
      }) : () -> ()
    } else {
    }
    %barrier3A_31 = arith.constant 0 : index
    tpu.barrier barrier_id(%barrier3A_31)
    %mul3A_32 = arith.constant 640 : i32
    %mul3A_33 = arith.muli %arg1, %mul3A_32 : i32
    %eq3A = arith.constant 0 : i32
    %eq3A_34 = arith.cmpi eq, %arg0, %eq3A : i32
    %convert_element_type3A_35 = arith.extui %eq3A_34 : i1 to i32
    %cond3A_36 = arith.constant 0 : i32
    %cond3A_37 = arith.cmpi ne, %convert_element_type3A_35, %cond3A_36 : i32
    scf.if %cond3A_37 {
      "tpu.region"() ({
        %run_scoped3A = tpu.sem_alloc : memref<!tpu.dma_semaphore, #tpu.memory_space<semaphore_mem>>
        %dma_start3A_43 = arith.constant 0 : i32
        %dma_start3A_44 = tpu.memref_slice %arg6[%mul3A_33, %dma_start3A_43] : memref<10240x128xf32, #tpu.memory_space<hbm>> -> memref<640x128xf32, #tpu.memory_space<hbm>>
        %dma_start3A_45 = arith.constant 0 : i32
        %dma_start3A_46 = tpu.memref_slice %arg16[%mul3A_33, %dma_start3A_45] : memref<10240x128xf32, #tpu.memory_space<vmem_shared>> -> memref<640x128xf32, #tpu.memory_space<vmem_shared>>
        tpu.enqueue_dma source(%dma_start3A_46 : memref<640x128xf32, #tpu.memory_space<vmem_shared>>) target(%dma_start3A_44 : memref<640x128xf32, #tpu.memory_space<hbm>>) target_semaphore(%run_scoped3A : memref<!tpu.dma_semaphore, #tpu.memory_space<semaphore_mem>>)
        %dma_wait3A_47 = arith.constant 0 : i32
        %dma_wait3A_48 = tpu.memref_slice %arg6[%mul3A_33, %dma_wait3A_47] : memref<10240x128xf32, #tpu.memory_space<hbm>> -> memref<640x128xf32, #tpu.memory_space<hbm>>
        %dma_wait3A_49 = arith.constant 0 : i32
        %dma_wait3A_50 = tpu.memref_slice %arg16[%mul3A_33, %dma_wait3A_49] : memref<10240x128xf32, #tpu.memory_space<vmem_shared>> -> memref<640x128xf32, #tpu.memory_space<vmem_shared>>
        tpu.wait_dma2 semaphore(%run_scoped3A : memref<!tpu.dma_semaphore, #tpu.memory_space<semaphore_mem>>) src(%dma_wait3A_50 : memref<640x128xf32, #tpu.memory_space<vmem_shared>>) dst(%dma_wait3A_48 : memref<640x128xf32, #tpu.memory_space<hbm>>)
        tpu.yield
      }) : () -> ()
    } else {
    }
    %eq3A_38 = arith.constant 1 : i32
    %eq3A_39 = arith.cmpi eq, %arg0, %eq3A_38 : i32
    %convert_element_type3A_40 = arith.extui %eq3A_39 : i1 to i32
    %cond3A_41 = arith.constant 0 : i32
    %cond3A_42 = arith.cmpi ne, %convert_element_type3A_40, %cond3A_41 : i32
    scf.if %cond3A_42 {
      "tpu.region"() ({
        %run_scoped3A = tpu.sem_alloc : memref<!tpu.dma_semaphore, #tpu.memory_space<semaphore_mem>>
        %dma_start3A_43 = arith.constant 0 : i32
        %dma_start3A_44 = tpu.memref_slice %arg7[%mul3A_33, %dma_start3A_43] : memref<10240x128xf32, #tpu.memory_space<hbm>> -> memref<640x128xf32, #tpu.memory_space<hbm>>
        %dma_start3A_45 = arith.constant 0 : i32
        %dma_start3A_46 = tpu.memref_slice %arg16[%mul3A_33, %dma_start3A_45] : memref<10240x128xf32, #tpu.memory_space<vmem_shared>> -> memref<640x128xf32, #tpu.memory_space<vmem_shared>>
        tpu.enqueue_dma source(%dma_start3A_46 : memref<640x128xf32, #tpu.memory_space<vmem_shared>>) target(%dma_start3A_44 : memref<640x128xf32, #tpu.memory_space<hbm>>) target_semaphore(%run_scoped3A : memref<!tpu.dma_semaphore, #tpu.memory_space<semaphore_mem>>)
        %dma_wait3A_47 = arith.constant 0 : i32
        %dma_wait3A_48 = tpu.memref_slice %arg7[%mul3A_33, %dma_wait3A_47] : memref<10240x128xf32, #tpu.memory_space<hbm>> -> memref<640x128xf32, #tpu.memory_space<hbm>>
        %dma_wait3A_49 = arith.constant 0 : i32
        %dma_wait3A_50 = tpu.memref_slice %arg16[%mul3A_33, %dma_wait3A_49] : memref<10240x128xf32, #tpu.memory_space<vmem_shared>> -> memref<640x128xf32, #tpu.memory_space<vmem_shared>>
        tpu.wait_dma2 semaphore(%run_scoped3A : memref<!tpu.dma_semaphore, #tpu.memory_space<semaphore_mem>>) src(%dma_wait3A_50 : memref<640x128xf32, #tpu.memory_space<vmem_shared>>) dst(%dma_wait3A_48 : memref<640x128xf32, #tpu.memory_space<hbm>>)
        tpu.yield
      }) : () -> ()
    } else {
    }
    return
  }
}

module attributes {stable_mosaic.version = 14 : i64} {
  func.func @_h_body(%arg0: i32, %arg1: memref<1000x128xf32, #tpu.memory_space<vmem>>, %arg2: memref<128x128xf32, #tpu.memory_space<vmem>>, %arg3: memref<1000x128xf32, #tpu.memory_space<vmem>>) attributes {dimension_semantics = [#tpu.dimension_semantics<arbitrary>], iteration_bounds = array<i64: 10>, scalar_prefetch = 0 : i64, scratch_operands = 0 : i64, tpu.core_type = #tpu.core_type<tc>, window_params = [{transform_indices = @transform_0, window_bounds = array<i64: 1000, 128>}, {pipeline_mode = #tpu.pipeline_mode<synchronous>, transform_indices = @transform_1, window_bounds = array<i64: 128, 128>}, {transform_indices = @transform_2, window_bounds = array<i64: 1000, 128>}]} {
    %get3A = arith.constant 0 : index
    %get3A_0 = arith.constant 0 : index
    %get3A_1 = vector.load %arg1[%get3A, %get3A_0] : memref<1000x128xf32, #tpu.memory_space<vmem>>, vector<1000x128xf32>
    %get3A_2 = arith.constant 0 : index
    %get3A_3 = arith.constant 0 : index
    %get3A_4 = vector.load %arg2[%get3A_2, %get3A_3] : memref<128x128xf32, #tpu.memory_space<vmem>>, vector<128x128xf32>
    %dot_general3A = arith.constant dense<0.000000e+00> : vector<1000x128xf32>
    %dot_general3A_5 = tpu.matmul %get3A_1, %get3A_4, %dot_general3A {dimension_numbers = #tpu.dot_dimension_numbers<[1], [0], [0], [1], [0, 0, 1, 1], [], []>, transpose_lhs_hint = false} : vector<1000x128xf32>, vector<128x128xf32>, vector<1000x128xf32> -> vector<1000x128xf32>
    %swap3A = arith.constant 0 : index
    %swap3A_6 = arith.constant 0 : index
    %swap3A_7 = vector.load %arg3[%swap3A, %swap3A_6] : memref<1000x128xf32, #tpu.memory_space<vmem>>, vector<1000x128xf32>
    tpu.vector_store %arg3[%swap3A, %swap3A_6], %dot_general3A_5 {strides = array<i32>} : memref<1000x128xf32, #tpu.memory_space<vmem>>, vector<1000x128xf32>,
    return
  }
  func.func @transform_0(%arg0: i32) -> (i32, i32) {
    %c0_i32 = arith.constant 0 : i32
    %c0_i32_0 = arith.constant 0 : i32
    return %arg0, %c0_i32 : i32, i32
  }
  func.func @transform_1(%arg0: i32) -> (i32, i32) {
    %c0_i32 = arith.constant 0 : i32
    %c0_i32_0 = arith.constant 0 : i32
    %c0_i32_1 = arith.constant 0 : i32
    return %c0_i32, %c0_i32_0 : i32, i32
  }
  func.func @transform_2(%arg0: i32) -> (i32, i32) {
    %c0_i32 = arith.constant 0 : i32
    %c0_i32_0 = arith.constant 0 : i32
    return %arg0, %c0_i32 : i32, i32
  }
}

module attributes {stable_mosaic.version = 14 : i64} {
  func.func @_filter_body(%arg0: i32, %arg1: memref<4000x20xf32, #tpu.memory_space<vmem>>, %arg2: memref<4000x1xf32, #tpu.memory_space<vmem>>, %arg3: memref<20x128xf32, #tpu.memory_space<vmem>>, %arg4: memref<1x128xf32, #tpu.memory_space<vmem>>, %arg5: memref<128x128xf32, #tpu.memory_space<vmem>>, %arg6: memref<1x128xf32, #tpu.memory_space<vmem>>, %arg7: memref<4000x128xf32, #tpu.memory_space<vmem>>) attributes {dimension_semantics = [#tpu.dimension_semantics<arbitrary>], iteration_bounds = array<i64: 80>, scalar_prefetch = 0 : i64, scratch_operands = 0 : i64, tpu.core_type = #tpu.core_type<tc>, window_params = [{transform_indices = @transform_0, window_bounds = array<i64: 4000, 20>}, {transform_indices = @transform_1, window_bounds = array<i64: 4000, 1>}, {pipeline_mode = #tpu.pipeline_mode<synchronous>, transform_indices = @transform_2, window_bounds = array<i64: 20, 128>}, {pipeline_mode = #tpu.pipeline_mode<synchronous>, transform_indices = @transform_3, window_bounds = array<i64: 1, 128>}, {pipeline_mode = #tpu.pipeline_mode<synchronous>, transform_indices = @transform_4, window_bounds = array<i64: 128, 128>}, {pipeline_mode = #tpu.pipeline_mode<synchronous>, transform_indices = @transform_5, window_bounds = array<i64: 1, 128>}, {transform_indices = @transform_6, window_bounds = array<i64: 4000, 128>}]} {
    %get3A = arith.constant 0 : index
    %get3A_0 = arith.constant 0 : index
    %get3A_1 = vector.load %arg1[%get3A, %get3A_0] : memref<4000x20xf32, #tpu.memory_space<vmem>>, vector<4000x20xf32>
    %get3A_2 = arith.constant 0 : index
    %get3A_3 = arith.constant 0 : index
    %get3A_4 = vector.load %arg3[%get3A_2, %get3A_3] : memref<20x128xf32, #tpu.memory_space<vmem>>, vector<20x128xf32>
    %dot_general3A = arith.constant dense<0.000000e+00> : vector<4000x128xf32>
    %dot_general3A_5 = tpu.matmul %get3A_1, %get3A_4, %dot_general3A {dimension_numbers = #tpu.dot_dimension_numbers<[1], [0], [0], [1], [0, 0, 1, 1], [], []>, transpose_lhs_hint = false} : vector<4000x20xf32>, vector<20x128xf32>, vector<4000x128xf32> -> vector<4000x128xf32>
    %get3A_6 = arith.constant 0 : index
    %get3A_7 = arith.constant 0 : index
    %get3A_8 = vector.load %arg4[%get3A_6, %get3A_7] : memref<1x128xf32, #tpu.memory_space<vmem>>, vector<1x128xf32>
    %add3A = vector.broadcast %get3A_8 : vector<1x128xf32> to vector<4000x128xf32>
    %add3A_9 = arith.addf %dot_general3A_5, %add3A : vector<4000x128xf32>
    %custom_jvp_call3A = arith.constant 0.000000e+00 : f32
    %max3A = vector.broadcast %custom_jvp_call3A : f32 to vector<4000x128xf32>
    %max3A_10 = arith.maximumf %add3A_9, %max3A : vector<4000x128xf32>
    %sub3A = vector.broadcast %custom_jvp_call3A : f32 to vector<4000x128xf32>
    %sub3A_11 = arith.subf %add3A_9, %sub3A : vector<4000x128xf32>
    %ne3A = arith.cmpf one, %sub3A_11, %sub3A_11 : vector<4000x128xf32>
    %add3A_12 = vector.broadcast %custom_jvp_call3A : f32 to vector<4000x128xf32>
    %add3A_13 = arith.addf %add3A_9, %add3A_12 : vector<4000x128xf32>
    %abs3A = math.absf %sub3A_11 : vector<4000x128xf32>
    %neg3A = arith.constant 0.000000e+00 : f32
    %neg3A_14 = vector.broadcast %neg3A : f32 to vector<4000x128xf32>
    %neg3A_15 = arith.subf %neg3A_14, %abs3A : vector<4000x128xf32>
    %exp3A = math.exp %neg3A_15 : vector<4000x128xf32>
    %log1p3A = math.log1p %exp3A : vector<4000x128xf32>
    %add3A_16 = arith.addf %max3A_10, %log1p3A : vector<4000x128xf32>
    %select_n3A = arith.select %ne3A, %add3A_13, %add3A_16 : vector<4000x128xi1>, vector<4000x128xf32>
    %sub3A_17 = arith.constant 0.693147182 : f32
    %sub3A_18 = vector.broadcast %sub3A_17 : f32 to vector<4000x128xf32>
    %sub3A_19 = arith.subf %select_n3A, %sub3A_18 : vector<4000x128xf32>
    %get3A_20 = arith.constant 0 : index
    %get3A_21 = arith.constant 0 : index
    %get3A_22 = vector.load %arg5[%get3A_20, %get3A_21] : memref<128x128xf32, #tpu.memory_space<vmem>>, vector<128x128xf32>
    %dot_general3A_23 = arith.constant dense<0.000000e+00> : vector<4000x128xf32>
    %dot_general3A_24 = tpu.matmul %sub3A_19, %get3A_22, %dot_general3A_23 {dimension_numbers = #tpu.dot_dimension_numbers<[1], [0], [0], [1], [0, 0, 1, 1], [], []>, transpose_lhs_hint = false} : vector<4000x128xf32>, vector<128x128xf32>, vector<4000x128xf32> -> vector<4000x128xf32>
    %get3A_25 = arith.constant 0 : index
    %get3A_26 = arith.constant 0 : index
    %get3A_27 = vector.load %arg6[%get3A_25, %get3A_26] : memref<1x128xf32, #tpu.memory_space<vmem>>, vector<1x128xf32>
    %add3A_28 = vector.broadcast %get3A_27 : vector<1x128xf32> to vector<4000x128xf32>
    %add3A_29 = arith.addf %dot_general3A_24, %add3A_28 : vector<4000x128xf32>
    %get3A_30 = arith.constant 0 : index
    %get3A_31 = arith.constant 0 : index
    %get3A_32 = vector.load %arg2[%get3A_30, %get3A_31] : memref<4000x1xf32, #tpu.memory_space<vmem>>, vector<4000x1xf32>
    %mul3A = vector.broadcast %get3A_32 : vector<4000x1xf32> to vector<4000x128xf32>
    %mul3A_33 = arith.mulf %add3A_29, %mul3A : vector<4000x128xf32>
    %swap3A = arith.constant 0 : index
    %swap3A_34 = arith.constant 0 : index
    %swap3A_35 = vector.load %arg7[%swap3A, %swap3A_34] : memref<4000x128xf32, #tpu.memory_space<vmem>>, vector<4000x128xf32>
    tpu.vector_store %arg7[%swap3A, %swap3A_34], %mul3A_33 {strides = array<i32>} : memref<4000x128xf32, #tpu.memory_space<vmem>>, vector<4000x128xf32>,
    return
  }
  func.func @transform_0(%arg0: i32) -> (i32, i32) {
    %c0_i32 = arith.constant 0 : i32
    %c0_i32_0 = arith.constant 0 : i32
    return %arg0, %c0_i32 : i32, i32
  }
  func.func @transform_1(%arg0: i32) -> (i32, i32) {
    %c0_i32 = arith.constant 0 : i32
    %c0_i32_0 = arith.constant 0 : i32
    return %arg0, %c0_i32 : i32, i32
  }
  func.func @transform_2(%arg0: i32) -> (i32, i32) {
    %c0_i32 = arith.constant 0 : i32
    %c0_i32_0 = arith.constant 0 : i32
    %c0_i32_1 = arith.constant 0 : i32
    return %c0_i32, %c0_i32_0 : i32, i32
  }
  func.func @transform_3(%arg0: i32) -> (i32, i32) {
    %c0_i32 = arith.constant 0 : i32
    %c0_i32_0 = arith.constant 0 : i32
    %c0_i32_1 = arith.constant 0 : i32
    return %c0_i32, %c0_i32_0 : i32, i32
  }
  func.func @transform_4(%arg0: i32) -> (i32, i32) {
    %c0_i32 = arith.constant 0 : i32
    %c0_i32_0 = arith.constant 0 : i32
    %c0_i32_1 = arith.constant 0 : i32
    return %c0_i32, %c0_i32_0 : i32, i32
  }
  func.func @transform_5(%arg0: i32) -> (i32, i32) {
    %c0_i32 = arith.constant 0 : i32
    %c0_i32_0 = arith.constant 0 : i32
    %c0_i32_1 = arith.constant 0 : i32
    return %c0_i32, %c0_i32_0 : i32, i32
  }
  func.func @transform_6(%arg0: i32) -> (i32, i32) {
    %c0_i32 = arith.constant 0 : i32
    %c0_i32_0 = arith.constant 0 : i32
    return %arg0, %c0_i32 : i32, i32
  }
}

module attributes {stable_mosaic.version = 14 : i64} {
  func.func @_out_body(%arg0: i32, %arg1: memref<1000x128xf32, #tpu.memory_space<vmem>>, %arg2: memref<1000x128xf32, #tpu.memory_space<vmem>>, %arg3: memref<128x128xf32, #tpu.memory_space<vmem>>, %arg4: memref<1x128xf32, #tpu.memory_space<vmem>>, %arg5: memref<128x128xf32, #tpu.memory_space<vmem>>, %arg6: memref<1x128xf32, #tpu.memory_space<vmem>>, %arg7: memref<1000x128xf32, #tpu.memory_space<vmem>>) attributes {dimension_semantics = [#tpu.dimension_semantics<arbitrary>], iteration_bounds = array<i64: 10>, scalar_prefetch = 0 : i64, scratch_operands = 0 : i64, tpu.core_type = #tpu.core_type<tc>, window_params = [{transform_indices = @transform_0, window_bounds = array<i64: 1000, 128>}, {transform_indices = @transform_1, window_bounds = array<i64: 1000, 128>}, {pipeline_mode = #tpu.pipeline_mode<synchronous>, transform_indices = @transform_2, window_bounds = array<i64: 128, 128>}, {pipeline_mode = #tpu.pipeline_mode<synchronous>, transform_indices = @transform_3, window_bounds = array<i64: 1, 128>}, {pipeline_mode = #tpu.pipeline_mode<synchronous>, transform_indices = @transform_4, window_bounds = array<i64: 128, 128>}, {pipeline_mode = #tpu.pipeline_mode<synchronous>, transform_indices = @transform_5, window_bounds = array<i64: 1, 128>}, {transform_indices = @transform_6, window_bounds = array<i64: 1000, 128>}]} {
    %get3A = arith.constant 0 : index
    %get3A_0 = arith.constant 0 : index
    %get3A_1 = vector.load %arg1[%get3A, %get3A_0] : memref<1000x128xf32, #tpu.memory_space<vmem>>, vector<1000x128xf32>
    %get3A_2 = arith.constant 0 : index
    %get3A_3 = arith.constant 0 : index
    %get3A_4 = vector.load %arg2[%get3A_2, %get3A_3] : memref<1000x128xf32, #tpu.memory_space<vmem>>, vector<1000x128xf32>
    %add3A = arith.addf %get3A_1, %get3A_4 : vector<1000x128xf32>
    %get3A_5 = arith.constant 0 : index
    %get3A_6 = arith.constant 0 : index
    %get3A_7 = vector.load %arg3[%get3A_5, %get3A_6] : memref<128x128xf32, #tpu.memory_space<vmem>>, vector<128x128xf32>
    %dot_general3A = arith.constant dense<0.000000e+00> : vector<1000x128xf32>
    %dot_general3A_8 = tpu.matmul %add3A, %get3A_7, %dot_general3A {dimension_numbers = #tpu.dot_dimension_numbers<[1], [0], [0], [1], [0, 0, 1, 1], [], []>, transpose_lhs_hint = false} : vector<1000x128xf32>, vector<128x128xf32>, vector<1000x128xf32> -> vector<1000x128xf32>
    %get3A_9 = arith.constant 0 : index
    %get3A_10 = arith.constant 0 : index
    %get3A_11 = vector.load %arg4[%get3A_9, %get3A_10] : memref<1x128xf32, #tpu.memory_space<vmem>>, vector<1x128xf32>
    %add3A_12 = vector.broadcast %get3A_11 : vector<1x128xf32> to vector<1000x128xf32>
    %add3A_13 = arith.addf %dot_general3A_8, %add3A_12 : vector<1000x128xf32>
    %custom_jvp_call3A = arith.constant 0.000000e+00 : f32
    %max3A = vector.broadcast %custom_jvp_call3A : f32 to vector<1000x128xf32>
    %max3A_14 = arith.maximumf %add3A_13, %max3A : vector<1000x128xf32>
    %sub3A = vector.broadcast %custom_jvp_call3A : f32 to vector<1000x128xf32>
    %sub3A_15 = arith.subf %add3A_13, %sub3A : vector<1000x128xf32>
    %ne3A = arith.cmpf one, %sub3A_15, %sub3A_15 : vector<1000x128xf32>
    %add3A_16 = vector.broadcast %custom_jvp_call3A : f32 to vector<1000x128xf32>
    %add3A_17 = arith.addf %add3A_13, %add3A_16 : vector<1000x128xf32>
    %abs3A = math.absf %sub3A_15 : vector<1000x128xf32>
    %neg3A = arith.constant 0.000000e+00 : f32
    %neg3A_18 = vector.broadcast %neg3A : f32 to vector<1000x128xf32>
    %neg3A_19 = arith.subf %neg3A_18, %abs3A : vector<1000x128xf32>
    %exp3A = math.exp %neg3A_19 : vector<1000x128xf32>
    %log1p3A = math.log1p %exp3A : vector<1000x128xf32>
    %add3A_20 = arith.addf %max3A_14, %log1p3A : vector<1000x128xf32>
    %select_n3A = arith.select %ne3A, %add3A_17, %add3A_20 : vector<1000x128xi1>, vector<1000x128xf32>
    %sub3A_21 = arith.constant 0.693147182 : f32
    %sub3A_22 = vector.broadcast %sub3A_21 : f32 to vector<1000x128xf32>
    %sub3A_23 = arith.subf %select_n3A, %sub3A_22 : vector<1000x128xf32>
    %get3A_24 = arith.constant 0 : index
    %get3A_25 = arith.constant 0 : index
    %get3A_26 = vector.load %arg5[%get3A_24, %get3A_25] : memref<128x128xf32, #tpu.memory_space<vmem>>, vector<128x128xf32>
    %dot_general3A_27 = arith.constant dense<0.000000e+00> : vector<1000x128xf32>
    %dot_general3A_28 = tpu.matmul %sub3A_23, %get3A_26, %dot_general3A_27 {dimension_numbers = #tpu.dot_dimension_numbers<[1], [0], [0], [1], [0, 0, 1, 1], [], []>, transpose_lhs_hint = false} : vector<1000x128xf32>, vector<128x128xf32>, vector<1000x128xf32> -> vector<1000x128xf32>
    %get3A_29 = arith.constant 0 : index
    %get3A_30 = arith.constant 0 : index
    %get3A_31 = vector.load %arg6[%get3A_29, %get3A_30] : memref<1x128xf32, #tpu.memory_space<vmem>>, vector<1x128xf32>
    %add3A_32 = vector.broadcast %get3A_31 : vector<1x128xf32> to vector<1000x128xf32>
    %add3A_33 = arith.addf %dot_general3A_28, %add3A_32 : vector<1000x128xf32>
    %swap3A = arith.constant 0 : index
    %swap3A_34 = arith.constant 0 : index
    %swap3A_35 = vector.load %arg7[%swap3A, %swap3A_34] : memref<1000x128xf32, #tpu.memory_space<vmem>>, vector<1000x128xf32>
    tpu.vector_store %arg7[%swap3A, %swap3A_34], %add3A_33 {strides = array<i32>} : memref<1000x128xf32, #tpu.memory_space<vmem>>, vector<1000x128xf32>,
    return
  }
  func.func @transform_0(%arg0: i32) -> (i32, i32) {
    %c0_i32 = arith.constant 0 : i32
    %c0_i32_0 = arith.constant 0 : i32
    return %arg0, %c0_i32 : i32, i32
  }
  func.func @transform_1(%arg0: i32) -> (i32, i32) {
    %c0_i32 = arith.constant 0 : i32
    %c0_i32_0 = arith.constant 0 : i32
    return %arg0, %c0_i32 : i32, i32
  }
  func.func @transform_2(%arg0: i32) -> (i32, i32) {
    %c0_i32 = arith.constant 0 : i32
    %c0_i32_0 = arith.constant 0 : i32
    %c0_i32_1 = arith.constant 0 : i32
    return %c0_i32, %c0_i32_0 : i32, i32
  }
  func.func @transform_3(%arg0: i32) -> (i32, i32) {
    %c0_i32 = arith.constant 0 : i32
    %c0_i32_0 = arith.constant 0 : i32
    %c0_i32_1 = arith.constant 0 : i32
    return %c0_i32, %c0_i32_0 : i32, i32
  }
  func.func @transform_4(%arg0: i32) -> (i32, i32) {
    %c0_i32 = arith.constant 0 : i32
    %c0_i32_0 = arith.constant 0 : i32
    %c0_i32_1 = arith.constant 0 : i32
    return %c0_i32, %c0_i32_0 : i32, i32
  }
  func.func @transform_5(%arg0: i32) -> (i32, i32) {
    %c0_i32 = arith.constant 0 : i32
    %c0_i32_0 = arith.constant 0 : i32
    %c0_i32_1 = arith.constant 0 : i32
    return %c0_i32, %c0_i32_0 : i32, i32
  }
  func.func @transform_6(%arg0: i32) -> (i32, i32) {
    %c0_i32 = arith.constant 0 : i32
    %c0_i32_0 = arith.constant 0 : i32
    return %arg0, %c0_i32 : i32, i32
  }
}

</mosaic_0001>

<sc_bundles>
// kernel: kernel.6.cloned.1.call-start
scs
__scs_entry_jumppad:
0x0: {  	(pc) =	sbr.rel $0x88, $3  }
0x1: {  	(tag) =	ssettag $0x0;
	lr =	simm.s32 $0x1  }
0x2: {  	[smem:$0x3F94] =	sst lr;
	_ =	strace $0xD0000000  }
0x3: {  	_ = 	snop  }
0x4: {  	_ = 	snop  }
0x5: {  	_ = 	snop  }
0x6: {  	_ = 	snop  }
0x7: {  	_ = 	snop  }
__scs_overlays_trampoline_lowered:
0x8: {  	[smem:$0x3FA3] =	sst s0  }
0x9: {  	[smem:$0x3FA4] =	sst s1  }
0xa: {  	[smem:$0x3FA5] =	sst s2  }
0xb: {  	[smem:$0x3FA6] =	sst s3  }
0xc: {  	[smem:$0x3FA7] =	sst s4  }
0xd: {  	[smem:$0x3FA8] =	sst s5  }
0xe: {  	[smem:$0x3FA9] =	sst s6  }
0xf: {  	[smem:$0x3FAA] =	sst s7  }
0x10: {  	[smem:$0x3FAB] =	sst s8  }
0x11: {  	[smem:$0x3FAC] =	sst s9;
	s0 =	simm.s32 @!p0 $0x0  }
0x12: {  	s1 =	sld [smem:$0x3F92];
	s0 =	simm.s32 @p0 $0x1  }
0x13: {  	[smem:$0x3FAD] =	sst s0;
	s0 =	simm.s32 @!p1 $0x0  }
0x14: {  	s2 =	sld [smem:$0x3F91];
	s0 =	simm.s32 @p1 $0x1  }
0x15: {  	[smem:$0x3FAE] =	sst s0;
	s0 =	simm.s32 @!p2 $0x0  }
0x16: {  	s3 =	sld [smem:$0x3FDB];
	s0 =	simm.s32 @p2 $0x1  }
0x17: {  	s4 =	simm.s32 $0x1BF5;
	[smem:$0x3FB0] =	sst s0  }
0x18: {  	s0 =	sld [smem:$0x3F93];
	_ =	swait.ge [sflag:s4], $0x0  }
0x19: {  	s7 =	sld [smem:$0x3F94]  }
0x1a: {  	s8 =	sadd.s32 $0xFFFFE003, lr  }
0x1b: {  	s9 =	sadd.s32 $0xFFFFFEF7, lr;
	s5 =	simm.s32 $0xFFFFFFFF;
	p2 =	slt.u32 s8, $0xFFFFF086  }
0x1c: {  	p1 =	slt.u32 s9, $0xF7A;
	s5 =	simm.s32 @!p2 $0x0  }
0x1d: {  	s5 =	simm.s32 @p1 $0x1;
	p0 =	seq.s32 s7, s2  }
0x1e: {  	s7 =	smul.u32 @!p0 $0xF7A, s2;
	p2 =	seq.s32 @!p0 s5, $0x0  }
0x1f: {  	s9 =	smul.u32 $0xF7A, s1;
	s8 =	simm.s32 @!p0 $0x1BF5;
	p2 =	por !p2, p0  }
0x20: {  	[sflag:s8] =	ssyncset.s32 @!p0 $0xFFFFF086;
	s6 =	sadd.s32 @!p0 s3, s7;
	s7 =	simm.s32 @!p0 $0x108  }
0x21: {  	s3 =	sadd.s32 s3, s9;
	s6 =	sadd.s32 @!p0 $0x88, s6;
	s7 =	simm.s32 @p2 $0x1082  }
0x22: {  	[simem:s7], [sflag:s8] =	dma.local @!p0 [hbm:s6], $0xF7A  }
0x23: {  	s9 =	sor.u32 $0xD0000000, s2;
	s6 =	simm.s32 $0x108;
	_ =	swait.ge @!p0 [sflag:s8], $0x0  }
0x24: {  	s3 =	sadd.s32 $0x88, s3;
	s6 =	simm.s32 @!p1 $0x1082;
	[sflag:s4] =	ssyncset.s32 $0xFFFFF086  }
0x25: {  	[simem:s6], [sflag:s4] =	dma.local [hbm:s3], $0xF7A  }
0x26: {  	[smem:$0x3F94] =	sst s1;
	(tag) =	ssettag s2;
	_ =	strace s9  }
0x27: {  	s1 =	sld [smem:$0x3FA4]  }
0x28: {  	s2 =	sld [smem:$0x3FA5]  }
0x29: {  	s4 =	sld [smem:$0x3FA7]  }
0x2a: {  	p0 =	seq.s32 s5, $0x0;
	s5 =	sld [smem:$0x3FA8]  }
0x2b: {  	s6 =	sld [smem:$0x3FA9]  }
0x2c: {  	s7 =	sld [smem:$0x3FAA]  }
0x2d: {  	s3 =	simm.s32 $0x108;
	s8 =	sld [smem:$0x3FAB]  }
0x2e: {  	s3 =	simm.s32 @!p0 $0x1082;
	s9 =	sld [smem:$0x3FAC]  }
0x2f: {  	lr =	sadd.s32 s0, s3;
	s0 =	sld [smem:$0x3FA3]  }
0x30: {  	s3 =	sld [smem:$0x3FA6]  }
0x31: {  	[smem:$0x3FAF] =	sst s10  }
0x32: {  	s10 =	sld [smem:$0x3FAD];
	_ =	sdelay $0x3  }
0x33: {  	p0 =	seq.s32 s10, $0x1;
	s10 =	sld [smem:$0x3FAF];
	_ =	sdelay $0x3  }
0x34: {  	[smem:$0x3FAF] =	sst s10  }
0x35: {  	s10 =	sld [smem:$0x3FAE];
	_ =	sdelay $0x3  }
0x36: {  	p1 =	seq.s32 s10, $0x1;
	s10 =	sld [smem:$0x3FAF];
	_ =	sdelay $0x3  }
0x37: {  	[smem:$0x3FAF] =	sst s10  }
0x38: {  	s10 =	sld [smem:$0x3FB0]  }
0x39: {  	_ = 	snop;
	(pc) =	sbr.ind lr, $3  }
0x3a: {  	_ = 	snop  }
0x3b: {  	_ = 	snop  }
0x3c: {  	p2 =	seq.s32 s10, $0x1;
	s10 =	sld [smem:$0x3FAF]  }
0x3d: {  	_ =	shalt  }
0x3e: {  	_ =	shalt  }
0x3f: {  	_ =	shalt  }
0x40: {  	_ =	shalt  }
0x41: {  	_ =	shalt  }
0x42: {  	_ =	shalt  }
0x43: {  	_ =	shalt  }
0x44: {  	_ =	shalt  }
0x45: {  	_ =	shalt  }
0x46: {  	_ =	shalt  }
0x47: {  	_ =	shalt  }
0x48: {  	_ =	shalt  }
0x49: {  	_ =	shalt  }
0x4a: {  	_ =	shalt  }
0x4b: {  	_ =	shalt  }
0x4c: {  	_ =	shalt  }
0x4d: {  	_ =	shalt  }
0x4e: {  	_ =	shalt  }
0x4f: {  	_ =	shalt  }
0x50: {  	_ =	shalt  }
0x51: {  	_ =	shalt  }
0x52: {  	_ =	shalt  }
0x53: {  	_ =	shalt  }
0x54: {  	_ =	shalt  }
0x55: {  	_ =	shalt  }
0x56: {  	_ =	shalt  }
0x57: {  	_ =	shalt  }
0x58: {  	_ =	shalt  }
0x59: {  	_ =	shalt  }
0x5a: {  	_ =	shalt  }
0x5b: {  	_ =	shalt  }
0x5c: {  	_ =	shalt  }
0x5d: {  	_ =	shalt  }
0x5e: {  	_ =	shalt  }
0x5f: {  	_ =	shalt  }
0x60: {  	_ =	shalt  }
0x61: {  	_ =	shalt  }
0x62: {  	_ =	shalt  }
0x63: {  	_ =	shalt  }
0x64: {  	_ =	shalt  }
0x65: {  	_ =	shalt  }
0x66: {  	_ =	shalt  }
0x67: {  	_ =	shalt  }
0x68: {  	_ =	shalt  }
0x69: {  	_ =	shalt  }
0x6a: {  	_ =	shalt  }
0x6b: {  	_ =	shalt  }
0x6c: {  	_ =	shalt  }
0x6d: {  	_ =	shalt  }
0x6e: {  	_ =	shalt  }
0x6f: {  	_ =	shalt  }
0x70: {  	_ =	shalt  }
0x71: {  	_ =	shalt  }
0x72: {  	_ =	shalt  }
0x73: {  	_ =	shalt  }
0x74: {  	_ =	shalt  }
0x75: {  	_ =	shalt  }
0x76: {  	_ =	shalt  }
0x77: {  	_ =	shalt  }
0x78: {  	_ =	shalt  }
0x79: {  	_ =	shalt  }
0x7a: {  	_ =	shalt  }
0x7b: {  	_ =	shalt  }
0x7c: {  	_ =	shalt  }
0x7d: {  	_ =	shalt  }
0x7e: {  	_ =	shalt  }
0x7f: {  	_ =	shalt  }
0x80: {  	_ =	shalt  }
0x81: {  	_ =	shalt  }
0x82: {  	_ =	shalt  }
0x83: {  	_ =	shalt  }
0x84: {  	_ =	shalt  }
0x85: {  	_ =	shalt  }
0x86: {  	_ =	shalt  }
0x87: {  	_ =	shalt  }
.Lfunc_end0:
.L_simem_size_0:
called_computation_lowered:
.L_overlay_start_0:
0x88: {  	s2 =	sld [smem:$0x3FD9]  }
0x89: {  	s3 =	sld [smem:$0x3FFE];
	_ =	sdelay $0x1  }
0x8a: {  	s1 =	srdreg.scid  }
0x8b: {  	s0 =	sand.u32 $0x1, s1  }
0x8c: {  	s17 =	sshll.u32 s0, $0xA;
	s2 =	sadd.s32 s3, s2  }
0x8d: {  	s2 =	sadd.s32 s2, s17  }
0x8e: {  	[smem:$0x3FBB] =	sst s2  }
0x8f: {  	_ = 	snop  }
0x90: {  	s2 =	sld [smem:$0x3FD0];
	(tm) =	ssettm $0x1  }
0x91: {  	s18 =	sld [smem:$0x3FFB];
	_ =	sdelay $0x3  }
0x92: {  	_ =	strace s18  }
0x93: {  	s3 =	sld [smem:$0x3FFC];
	_ =	sdelay $0x3  }
0x94: {  	_ =	strace s3  }
0x95: {  	s3 =	sld [smem:$0x3FFD];
	_ =	sdelay $0x3  }
0x96: {  	_ =	strace s3  }
0x97: {  	_ =	strace $0x8FFFFFFF  }
0x98: {  	s19 =	sld [smem:$0x3FDB];
	_ =	sdelay $0x1  }
0x99: {  	s4 =	simm.s32 $_scs_section_size  }
0x9a: {  	s5 =	simm.s32 $_size__tile_overlayer_lowered;
	s6 =	simm.s32 $_tile_overlayer_lowered  }
0x9b: {  	s22 =	simm.s32 $0x1BFF;
	s21 =	sshll.u32 s6, $0x1;
	s3 =	sadd.s32 s4, s19  }
0x9c: {  	s7 =	simm.s32 $0x0;
	s20 =	sshll.u32 s5, $0x1;
	s5 =	sadd.s32 s21, s3  }
0x9d: {  	[timem:s7], [sflag:s22] =	dma.local [hbm:s5], s20  }
0x9e: {  	_ =	swait.ge [sflag:s22], s20  }
0x9f: {  	s4 =	ssub.s32 $0x0, s20;
	[sflag:s22] =	ssyncset.done $0x0  }
0xa0: {  	[sflag:s22] =	ssyncadd.s32 s4;
	_ =	sdelay $0x1  }
0xa1: {  	s23 =	simm.s32 $0x1B8B  }
0xa2: {  	_ =	swait.ge [sflag:s23], $0x1  }
0xa3: {  	[sflag:s23] =	ssyncset.done $0x0  }
0xa4: {  	s25 =	simm.s32 $0x1B8E;
	s24 =	sld [smem:$0x3FFE];
	[sflag:s23] =	ssyncadd.s32 $0xFFFFFFFF  }
0xa5: {  	s26 =	simm.s32 $execute0_lowered;
	[smem:$0x3FD2] =	sst s25  }
0xa6: {  	s5 =	sshll.u32 s26, $0x1;
	_ =	strace $0x80000046;
	[dreg:$0x1] =	wrdreg $0xFFFFFFFF  }
0xa7: {  	s28 =	simm.s32 $_size_execute0_lowered;
	s3 =	sadd.s32 s3, s5;
	[dreg:$0x0] =	wrdreg $0x0  }
0xa8: {  	s5 =	sshll.u32 s28, $0x1;
	[dreg:$0x2] =	wrdreg s3  }
0xa9: {  	[dreg:$0x3] =	wrdreg s5  }
0xaa: {  	[dreg:$0x4] =	wrdreg $0xC0  }
0xab: {  	_ =	task [dreg:s7], $0x5FFFF  }
0xac: {  	[dreg:$0x1] =	wrdreg $0xFFFFFFFF  }
0xad: {  	[dreg:$0x0] =	wrdreg $0x60  }
0xae: {  	[dreg:$0x2] =	wrdreg s2  }
0xaf: {  	[dreg:$0x3] =	wrdreg s24  }
0xb0: {  	[dreg:$0x4] =	wrdreg $0x82000  }
0xb1: {  	[dreg:$0x5] =	wrdreg $0x9  }
0xb2: {  	_ =	task.clear_ibuf [dreg:s7], $0x6FFFF;
	_ =	strace $0x90000046  }
0xb3: {  	s29 =	simm.s32 $0x9;
	_ =	strace $0x80000048  }
0xb4: {  	_ =	swait.ge [sflag:s29], $0x1  }
0xb5: {  	[sflag:s29] =	ssyncadd.s32 $0xFFFFFFFF  }
0xb6: {  	_ =	strace $0x90000048  }
0xb7: {  	_ =	sfence  }
0xb8: {  	s30 =	sld [smem:$0x0];
	_ =	sdelay $0x2  }
0xb9: {  	s31 =	sshll.u32 s1, $0xD;
	s1 =	sshrl.u32 s1, $0x2  }
0xba: {  	s3 =	sand.u32 $0x4000, s31;
	s1 =	sadd.s32 s1, s30  }
0xbb: {  	s0 =	sor.u32 s3, s0;
	s1 =	sshll.u32 s1, $0x11  }
0xbc: {  	s0 =	sor.u32 s1, s0  }
0xbd: {  	s0 =	sadd.s32 $0x8F2B, s0  }
0xbe: {  	[sflag:s0] =	ssyncadd.remote.s32 $0x1  }
0xbf: {  	_ =	sfence.sel $0xFFFF  }
0xc0: {  	[dreg:$0x0] =	wrdreg $0xFFFFFFFF;
	(pc) =	sbr.abs _section_cstart, $3  }
0xc1: {  	[dreg:$0x1] =	wrdreg $0xFFFFFFFF  }
0xc2: {  	_ =	task.clear_ibuf [dreg:s7], $0x2FFFF;
	_ =	strace $0x9FFFFFFF  }
0xc3: {  	(tm) =	ssettm $0x7FFFFFFF  }
tec
execute0_lowered:
.L_overlay_start_1:
0x0: {  	(tag) =	ssettag $0x1  }
0x1: {  	s1 =	rddreg [dreg:$0x0]  }
0x2: {  	s0 =	rddreg [dreg:$0x1]  }
0x3: {  	s2 =	rddreg [dreg:$0x2];
	s3 =	simm.s32 $0x0  }
0x4: {  	s4 =	srdreg.scid;
	s14 =	stileid.u32;
	s28 =	simm.s32 $0x4100  }
0x5: {  	s29 =	simm.s32 $0x4180;
	s30 =	simm.s32 $0x6200;
	s31 =	simm.s32 $0x4  }
0x6: {  	s15 =	simm.s32 $0x2;
	s16 =	simm.s32 $0x9;
	[smem:$0x7FF] =	sst s3  }
0x7: {  	s5 =	sadd.s32 $0x9DA000, s0;
	s6 =	sadd.s32 $0x9C6600, s0;
	s4 =	sand.u32 $0x1, s4  }
0x8: {  	s10 =	smul.u32 $0x50000, s14;
	s11 =	sadd.s32 $0x2600, s0;
	s19 =	sshll.u32 s14, $0x6  }
0x9: {  	s24 =	sshll.u32 s14, $0x3;
	s13 =	sadd.s32 $0x9D0240, s0;
	s26 =	smul.u32 $0x2800, s14  }
0xa: {  	_ =	strace $0x80000047;
	s7 =	ssub.s32 $0x2, s4;
	s8 =	sshll.u32 s4, $0x4  }
0xb: {  	[dreg:$0x4] =	wrdreg s11;
	s17 =	sor.u32 $0x1C0B, s19;
	p0 =	seq.s32 s4, $0x1  }
0xc: {  	s4 =	simm.s32 $0x2CE00;
	s9 =	sshrl.u32 s7, $0x1;
	s8 =	sor.u32 s14, s8  }
0xd: {  	s10 =	sshrl.u32 s10, $0x2;
	s4 =	simm.s32 @!p0 $0x4E00;
	s14 =	simm.s32 $0x3  }
0xe: {  	[dreg:$0x5] =	wrdreg s17;
	s7 =	ssub.s32 s7, s9;
	s18 =	sshll.u32 s8, $0x6  }
0xf: {  	s10 =	sadd.s32 s10, s2;
	s21 =	sshll.u32 s8, $0x3;
	s22 =	sshll.u32 s8, $0xA  }
0x10: {  	s0 =	sadd.s32 s4, s0;
	p0 =	sgt.u32 s8, $0x7;
	s4 =	simm.s32 $0x4200  }
0x11: {  	s12 =	sshrl.u32 s18, $0x3;
	s23 =	sadd.s32 s5, s22;
	s9 =	sor.u32 $0x4E000, s18  }
0x12: {  	s7 =	smax.u32 s7, $0x1;
	s18 =	sor.u32 $0x20, s8;
	s0 =	sadd.s32 s0, s26  }
0x13: {  	s10 =	sshrl.u32 s10, $0x3;
	s22 =	simm.s32 $0x80;
	s26 =	simm.s32 $0x100  }
0x14: {  	s20 =	sadd.s32 s6, s12;
	[dreg:$0x8] =	wrdreg s23;
	s12 =	sor.u32 $0x40, s8  }
0x15: {  	s25 =	sshrl.u32 s9, $0x3;
	s9 =	sshll.u32 s9, $0x4;
	[dreg:$0xc] =	wrdreg s7  }
0x16: {  	[dreg:$0xd] =	wrdreg s0;
	s0 =	simm.s32 $0x6;
	s23 =	simm.s32 $0x5  }
0x17: {  	s7 =	simm.s32 $0x8;
	[dreg:$0xe] =	wrdreg s10;
	s11 =	sadd.s32 $0x9C40, s20  }
.Ltmp0:
0x18: {  	[dreg:$0x6] =	wrdreg s11;
	s11 =	sadd.s32 s6, s21;
	(pc) =	sbr.rel .LBB2_1-.Ltmp0, $4  }
0x19: {  	s9 =	sadd.s32 s5, s9;
	[dreg:$0x7] =	wrdreg s11;
	s11 =	sadd.s32 s24, s6  }
0x1a: {  	[dreg:$0xb] =	wrdreg s9;
	s21 =	simm.s32 $0xB;
	s11 =	sadd.s32 $0x13840, s11  }
0x1b: {  	s9 =	simm.s32 $0x7;
	[dreg:$0x9] =	wrdreg s11;
	s11 =	sadd.s32 s6, s25  }
0x1c: {  	s25 =	simm.s32 $0x40;
	[dreg:$0xa] =	wrdreg s11;
	s11 =	simm.s32 $0x0  }
.LBB2_11:
0x1d: {  	[bflag:$0x0] =	sbarrier.arrive $0xFFFF  }
0x1e: {  	s17 =	rddreg [dreg:$0x5]  }
0x1f: {  	s8 =	rddreg [dreg:$0xd]  }
0x20: {  	s10 =	rddreg [dreg:$0xe]  }
0x21: {  	[hbm:s8], [sflag:s17] =	dma.local [spmem:s10], $0x2800  }
0x22: {  	_ =	swait.ge [sflag:s21], $0x2800  }
0x23: {  	s11 =	sadd.s32 $0x1, s11;
	s24 =	rddreg [dreg:$0xc]  }
0x24: {  	p1 =	sne.s32 s11, s24  }
.Ltmp1:
0x25: {  	_ = 	snop;
	(pc) =	sbr.rel @!p1 .LBB2_12-.Ltmp1, $3  }
0x26: {  	_ =	sdelay $0x1  }
0x27: {  	[sflag:s21] =	ssyncset.done $0x0  }
0x28: {  	[sflag:s21] =	ssyncadd.s32 $0xFFFFD800  }
.LBB2_1:
0x29: {  	s8 =	rddreg [dreg:$0x4]  }
0x2a: {  	[spmem:s10], [sflag:s17] =	dma.local [hbm:s8], $0x2800  }
0x2b: {  	_ =	swait.ge [sflag:s21], $0x2800  }
0x2c: {  	[sflag:s21] =	ssyncset.done $0x0  }
0x2d: {  	[sflag:s21] =	ssyncadd.s32 $0xFFFFD800  }
0x2e: {  	[bflag:$0x0] =	sbarrier.arrive $0xFFFF  }
0x2f: {  	s10 =	rddreg [dreg:$0x6]  }
0x30: {  	[tilespmem:s3], [sflag:$0x1] =	stream.linear.gather [hbm4b:s10+s3], $0x40, $0x38;
	[tilespmem:$0x1C200] =	vst v63  }
0x31: {  	s17 =	rddreg [dreg:$0x7]  }
0x32: {  	[tilespmem:s22], [sflag:$0x2] =	stream.linear.gather [hbm4b:s17+s3], $0x40, $0x38;
	[tilespmem:$0x1C200] =	vst v63  }
0x33: {  	s20 =	simm.s32 $0x2100;
	s24 =	simm.s32 $0x1;
	s19 =	rddreg [dreg:$0x8]  }
0x34: {  	[tilespmem:s20], [sflag:$0x3] =	stream.linear.gather [hbm4b:s19+s3], $0x2000, $0x38;
	[tilespmem:$0x1C200] =	vst v63  }
0x35: {  	_ =	swait.ge [sflag:s24], $0x40  }
0x36: {  	[sflag:s24] =	ssyncset.done $0x0  }
0x37: {  	s17 =	simm.s32 $0x0;
	[sflag:s24] =	ssyncadd.s32 $0xFFFFFFC0  }
0x38: {  	[tilespmem:s26], [sflag:$0x4] =	stream.indirect.gather [hbm4b:s1+s25], $0x80, s3, s25, $0xb8;
	[tilespmem:$0x1C200] =	vst v63  }
.LBB2_2:
0x39: {  	p1 =	seq.s32 s17, $0x0  }
0x3a: {  	s19 =	sshll.u32 s17, $0x6;
	s8 =	simm.s32 @!p1 $0xA  }
0x3b: {  	s10 =	sor.u32 s18, s19;
	_ =	swait.ge @!p1 [sflag:s8], $0x2000  }
0x3c: {  	s20 =	sshll.u32 s10, $0x3;
	[sflag:s8] =	ssyncset.done @!p1 $0x0  }
0x3d: {  	s24 =	sadd.s32 s20, s13;
	[sflag:s8] =	ssyncadd.s32 @!p1 $0xFFFFE000  }
0x3e: {  	[tilespmem:s28], [sflag:$0x6] =	stream.linear.gather [hbm4b:s24+s3], $0x40, $0x38;
	[tilespmem:$0x1C200] =	vst v63  }
0x3f: {  	s20 =	sadd.s32 s6, s20;
	s24 =	sshll.u32 s10, $0xA  }
0x40: {  	[tilespmem:s29], [sflag:$0x7] =	stream.linear.gather [hbm4b:s20+s3], $0x40, $0x38;
	[tilespmem:$0x1C200] =	vst v63  }
0x41: {  	s8 =	sadd.s32 s5, s24  }
0x42: {  	[tilespmem:s30], [sflag:$0x8] =	stream.linear.gather [hbm4b:s8+s3], $0x2000, $0x38;
	[tilespmem:$0x1C200] =	vst v63  }
0x43: {  	_ =	swait.ge [sflag:s31], $0x2000  }
0x44: {  	[sflag:s31] =	ssyncset.done $0x0  }
0x45: {  	[sflag:s31] =	ssyncadd.s32 $0xFFFFE000  }
0x46: {  	_ =	swait.ge [sflag:s0], $0x40  }
0x47: {  	[sflag:s0] =	ssyncset.done $0x0  }
0x48: {  	[sflag:s0] =	ssyncadd.s32 $0xFFFFFFC0  }
0x49: {  	[tilespmem:s4], [sflag:$0x9] =	stream.indirect.gather [hbm4b:s1+s25], $0x80, s28, s25, $0xb8;
	[tilespmem:$0x1C200] =	vst v63  }
0x4a: {  	_ =	swait.ge [sflag:s14], $0x2000  }
0x4b: {  	[sflag:s14] =	ssyncset.done $0x0  }
0x4c: {  	s24 =	simm.s32 $0x200;
	[sflag:s14] =	ssyncadd.s32 $0xFFFFE000  }
0x4d: {  	s10 =	simm.s32 $0x2200;
	v0 =	vld [tilespmem:s24+$0x80]  }
0x4e: {  	v1 =	vld [tilespmem:s10+$0x80]  }
0x4f: {  	v2 =	vld [tilespmem:s24+$0xFFFFFF80]  }
0x50: {  	v3 =	vld [tilespmem:s10+$0xFFFFFF80]  }
0x51: {  	v4 =	vld [tilespmem:s24+$0x0]  }
0x52: {  	v5 =	vld [tilespmem:s10+$0x0]  }
0x53: {  	v6 =	vld [tilespmem:s24+$0xFFFFFF00];
	v0 =	vmul.f32 v1, v0  }
0x54: {  	v1 =	vld [tilespmem:s10+$0xFFFFFF00]  }
0x55: {  	[tilespmem:s24+$0x80] =	vst v0;
	v0 =	vld [tilespmem:s24+$0x90]  }
0x56: {  	v2 =	vmul.f32 v3, v2;
	v3 =	vld [tilespmem:s10+$0x90]  }
0x57: {  	v7 =	vld [tilespmem:s24+$0xFFFFFF10]  }
0x58: {  	[tilespmem:s24+$0xFFFFFF80] =	vst v2;
	v2 =	vmul.f32 v5, v4;
	v4 =	vld [tilespmem:s24+$0xFFFFFF90]  }
0x59: {  	v5 =	vld [tilespmem:s10+$0xFFFFFF90];
	v1 =	vmul.f32 v1, v6  }
0x5a: {  	[tilespmem:s24+$0x0] =	vst v2;
	v2 =	vld [tilespmem:s24+$0x10]  }
0x5b: {  	v6 =	vld [tilespmem:s10+$0x10];
	[tilespmem:s24+$0xFFFFFF00] =	vst v1;
	v0 =	vmul.f32 v3, v0  }
0x5c: {  	v1 =	vld [tilespmem:s10+$0xFFFFFF10]  }
0x5d: {  	[tilespmem:s24+$0x90] =	vst v0;
	v0 =	vld [tilespmem:s24+$0xA0]  }
0x5e: {  	v3 =	vmul.f32 v5, v4;
	v4 =	vld [tilespmem:s10+$0xA0]  }
0x5f: {  	v5 =	vld [tilespmem:s24+$0xFFFFFF20]  }
0x60: {  	[tilespmem:s24+$0xFFFFFF90] =	vst v3;
	v2 =	vmul.f32 v6, v2;
	v3 =	vld [tilespmem:s24+$0xFFFFFFA0]  }
0x61: {  	v6 =	vld [tilespmem:s10+$0xFFFFFFA0];
	v1 =	vmul.f32 v1, v7  }
0x62: {  	[tilespmem:s24+$0x10] =	vst v2;
	v2 =	vld [tilespmem:s24+$0x20]  }
0x63: {  	v7 =	vld [tilespmem:s10+$0x20];
	[tilespmem:s24+$0xFFFFFF10] =	vst v1;
	v0 =	vmul.f32 v4, v0  }
0x64: {  	v1 =	vld [tilespmem:s10+$0xFFFFFF20]  }
0x65: {  	[tilespmem:s24+$0xA0] =	vst v0;
	v0 =	vld [tilespmem:s24+$0xB0]  }
0x66: {  	v3 =	vmul.f32 v6, v3;
	v4 =	vld [tilespmem:s10+$0xB0]  }
0x67: {  	v6 =	vld [tilespmem:s24+$0xFFFFFF30]  }
0x68: {  	[tilespmem:s24+$0xFFFFFFA0] =	vst v3;
	v2 =	vmul.f32 v7, v2;
	v3 =	vld [tilespmem:s24+$0xFFFFFFB0]  }
0x69: {  	v7 =	vld [tilespmem:s10+$0xFFFFFFB0];
	v1 =	vmul.f32 v1, v5  }
0x6a: {  	[tilespmem:s24+$0x20] =	vst v2;
	v2 =	vld [tilespmem:s24+$0x30]  }
0x6b: {  	v5 =	vld [tilespmem:s10+$0x30];
	[tilespmem:s24+$0xFFFFFF20] =	vst v1;
	v0 =	vmul.f32 v4, v0  }
0x6c: {  	v1 =	vld [tilespmem:s10+$0xFFFFFF30]  }
0x6d: {  	[tilespmem:s24+$0xB0] =	vst v0;
	v0 =	vld [tilespmem:s24+$0xC0]  }
0x6e: {  	v3 =	vmul.f32 v7, v3;
	v4 =	vld [tilespmem:s10+$0xC0]  }
0x6f: {  	v7 =	vld [tilespmem:s24+$0xFFFFFF40]  }
0x70: {  	[tilespmem:s24+$0xFFFFFFB0] =	vst v3;
	v2 =	vmul.f32 v5, v2;
	v3 =	vld [tilespmem:s24+$0xFFFFFFC0]  }
0x71: {  	v5 =	vld [tilespmem:s10+$0xFFFFFFC0];
	v1 =	vmul.f32 v1, v6  }
0x72: {  	[tilespmem:s24+$0x30] =	vst v2;
	v2 =	vld [tilespmem:s24+$0x40]  }
0x73: {  	v6 =	vld [tilespmem:s10+$0x40];
	[tilespmem:s24+$0xFFFFFF30] =	vst v1;
	v0 =	vmul.f32 v4, v0  }
0x74: {  	v1 =	vld [tilespmem:s10+$0xFFFFFF40]  }
0x75: {  	[tilespmem:s24+$0xC0] =	vst v0;
	v0 =	vld [tilespmem:s24+$0xD0]  }
0x76: {  	v3 =	vmul.f32 v5, v3;
	v4 =	vld [tilespmem:s10+$0xD0]  }
0x77: {  	v5 =	vld [tilespmem:s24+$0xFFFFFF50]  }
0x78: {  	[tilespmem:s24+$0xFFFFFFC0] =	vst v3;
	v2 =	vmul.f32 v6, v2;
	v3 =	vld [tilespmem:s24+$0xFFFFFFD0]  }
0x79: {  	v6 =	vld [tilespmem:s10+$0xFFFFFFD0];
	v1 =	vmul.f32 v1, v7  }
0x7a: {  	[tilespmem:s24+$0x40] =	vst v2;
	v2 =	vld [tilespmem:s24+$0x50]  }
0x7b: {  	v7 =	vld [tilespmem:s10+$0x50];
	[tilespmem:s24+$0xFFFFFF40] =	vst v1;
	v0 =	vmul.f32 v4, v0  }
0x7c: {  	v1 =	vld [tilespmem:s10+$0xFFFFFF50]  }
0x7d: {  	[tilespmem:s24+$0xD0] =	vst v0;
	v0 =	vld [tilespmem:s24+$0xE0]  }
0x7e: {  	v3 =	vmul.f32 v6, v3;
	v4 =	vld [tilespmem:s10+$0xE0]  }
0x7f: {  	v6 =	vld [tilespmem:s24+$0xFFFFFF60]  }
0x80: {  	[tilespmem:s24+$0xFFFFFFD0] =	vst v3;
	v2 =	vmul.f32 v7, v2;
	v3 =	vld [tilespmem:s24+$0xFFFFFFE0]  }
0x81: {  	v7 =	vld [tilespmem:s10+$0xFFFFFFE0];
	v1 =	vmul.f32 v1, v5  }
0x82: {  	[tilespmem:s24+$0x50] =	vst v2;
	v2 =	vld [tilespmem:s24+$0x60]  }
0x83: {  	v5 =	vld [tilespmem:s10+$0x60];
	[tilespmem:s24+$0xFFFFFF50] =	vst v1;
	v0 =	vmul.f32 v4, v0  }
0x84: {  	v4 =	vld [tilespmem:s10+$0xFFFFFF60]  }
0x85: {  	v8 =	vld [tilespmem:s24+$0xF0];
	[tilespmem:s24+$0xE0] =	vst v0  }
0x86: {  	v1 =	vmul.f32 v7, v3;
	v7 =	vld [tilespmem:s10+$0xF0]  }
0x87: {  	v0 =	vld [tilespmem:s24+$0xFFFFFF70]  }
0x88: {  	[tilespmem:s24+$0xFFFFFFE0] =	vst v1;
	v2 =	vmul.f32 v5, v2;
	v1 =	vld [tilespmem:s24+$0xFFFFFFF0]  }
0x89: {  	v3 =	vld [tilespmem:s10+$0xFFFFFFF0];
	v4 =	vmul.f32 v4, v6  }
0x8a: {  	[tilespmem:s24+$0x60] =	vst v2;
	v2 =	vld [tilespmem:s24+$0x70]  }
0x8b: {  	[tilespmem:s24+$0xFFFFFF60] =	vst v4;
	v4 =	vld [tilespmem:s10+$0x70];
	v6 =	vmul.f32 v7, v8  }
0x8c: {  	s20 =	simm.s32 $0x400;
	s8 =	simm.s32 $0x0;
	v5 =	vld [tilespmem:s10+$0xFFFFFF70]  }
.LBB2_3:
0x8d: {  	v7 =	vld [tilespmem:s20+$0x80];
	[tilespmem:s24+$0xF0] =	vst v6;
	s10 =	sadd.s32 $0x200, s10  }
0x8e: {  	s8 =	sadd.s32 $0x4, s8;
	v6 =	vld [tilespmem:s10+$0x80];
	v1 =	vmul.f32 v3, v1  }
0x8f: {  	p1 =	slt.u32 s8, $0x3C;
	v3 =	vld [tilespmem:s10+$0xFFFFFF00]  }
0x90: {  	v8 =	vld [tilespmem:s20+$0xFFFFFF80];
	[tilespmem:s24+$0xFFFFFFF0] =	vst v1;
	v1 =	vmul.f32 v4, v2  }
0x91: {  	v2 =	vld [tilespmem:s10+$0xFFFFFF80];
	v0 =	vmul.f32 v5, v0  }
0x92: {  	v4 =	vld [tilespmem:s20+$0x0];
	[tilespmem:s24+$0x70] =	vst v1  }
0x93: {  	v1 =	vld [tilespmem:s10+$0x0];
	v5 =	vmul.f32 v6, v7;
	[tilespmem:s24+$0xFFFFFF70] =	vst v0;
	s24 =	smov.u32 s20  }
0x94: {  	v0 =	vld [tilespmem:s20+$0xFFFFFF00]  }
0x95: {  	[tilespmem:s20+$0x80] =	vst v5;
	v5 =	vld [tilespmem:s20+$0x90]  }
0x96: {  	v2 =	vmul.f32 v2, v8;
	v6 =	vld [tilespmem:s10+$0x90]  }
0x97: {  	v7 =	vld [tilespmem:s20+$0xFFFFFF10]  }
0x98: {  	[tilespmem:s20+$0xFFFFFF80] =	vst v2;
	v2 =	vld [tilespmem:s20+$0xFFFFFF90];
	v1 =	vmul.f32 v1, v4  }
0x99: {  	v0 =	vmul.f32 v3, v0;
	v3 =	vld [tilespmem:s10+$0xFFFFFF90]  }
0x9a: {  	[tilespmem:s20+$0x0] =	vst v1;
	v1 =	vld [tilespmem:s20+$0x10]  }
0x9b: {  	[tilespmem:s20+$0xFFFFFF00] =	vst v0;
	v0 =	vld [tilespmem:s10+$0x10];
	v4 =	vmul.f32 v6, v5  }
0x9c: {  	v5 =	vld [tilespmem:s10+$0xFFFFFF10]  }
0x9d: {  	[tilespmem:s20+$0x90] =	vst v4;
	v4 =	vld [tilespmem:s20+$0xA0]  }
0x9e: {  	v2 =	vmul.f32 v3, v2;
	v3 =	vld [tilespmem:s10+$0xA0]  }
0x9f: {  	v6 =	vld [tilespmem:s20+$0xFFFFFF20]  }
0xa0: {  	[tilespmem:s20+$0xFFFFFF90] =	vst v2;
	v2 =	vld [tilespmem:s20+$0xFFFFFFA0];
	v0 =	vmul.f32 v0, v1  }
0xa1: {  	v1 =	vmul.f32 v5, v7;
	v5 =	vld [tilespmem:s10+$0xFFFFFFA0]  }
0xa2: {  	[tilespmem:s20+$0x10] =	vst v0;
	v0 =	vld [tilespmem:s20+$0x20]  }
0xa3: {  	[tilespmem:s20+$0xFFFFFF10] =	vst v1;
	v1 =	vld [tilespmem:s10+$0x20];
	v3 =	vmul.f32 v3, v4  }
0xa4: {  	v4 =	vld [tilespmem:s10+$0xFFFFFF20]  }
0xa5: {  	[tilespmem:s20+$0xA0] =	vst v3;
	v3 =	vld [tilespmem:s20+$0xB0]  }
0xa6: {  	v2 =	vmul.f32 v5, v2;
	v5 =	vld [tilespmem:s10+$0xB0]  }
0xa7: {  	v7 =	vld [tilespmem:s20+$0xFFFFFF30]  }
0xa8: {  	[tilespmem:s20+$0xFFFFFFA0] =	vst v2;
	v2 =	vld [tilespmem:s20+$0xFFFFFFB0];
	v0 =	vmul.f32 v1, v0  }
0xa9: {  	v1 =	vmul.f32 v4, v6;
	v4 =	vld [tilespmem:s10+$0xFFFFFFB0]  }
0xaa: {  	[tilespmem:s20+$0x20] =	vst v0;
	v0 =	vld [tilespmem:s20+$0x30]  }
0xab: {  	[tilespmem:s20+$0xFFFFFF20] =	vst v1;
	v1 =	vld [tilespmem:s10+$0x30];
	v3 =	vmul.f32 v5, v3  }
0xac: {  	v5 =	vld [tilespmem:s10+$0xFFFFFF30]  }
0xad: {  	[tilespmem:s20+$0xB0] =	vst v3;
	v3 =	vld [tilespmem:s20+$0xC0]  }
0xae: {  	v2 =	vmul.f32 v4, v2;
	v4 =	vld [tilespmem:s10+$0xC0]  }
0xaf: {  	v6 =	vld [tilespmem:s20+$0xFFFFFF40]  }
0xb0: {  	[tilespmem:s20+$0xFFFFFFB0] =	vst v2;
	v2 =	vld [tilespmem:s20+$0xFFFFFFC0];
	v0 =	vmul.f32 v1, v0  }
0xb1: {  	v1 =	vmul.f32 v5, v7;
	v5 =	vld [tilespmem:s10+$0xFFFFFFC0]  }
0xb2: {  	[tilespmem:s20+$0x30] =	vst v0;
	v0 =	vld [tilespmem:s20+$0x40]  }
0xb3: {  	[tilespmem:s20+$0xFFFFFF30] =	vst v1;
	v1 =	vld [tilespmem:s10+$0x40];
	v3 =	vmul.f32 v4, v3  }
0xb4: {  	v4 =	vld [tilespmem:s10+$0xFFFFFF40]  }
0xb5: {  	[tilespmem:s20+$0xC0] =	vst v3;
	v3 =	vld [tilespmem:s20+$0xD0]  }
0xb6: {  	v2 =	vmul.f32 v5, v2;
	v5 =	vld [tilespmem:s10+$0xD0]  }
0xb7: {  	v7 =	vld [tilespmem:s20+$0xFFFFFF50]  }
0xb8: {  	[tilespmem:s20+$0xFFFFFFC0] =	vst v2;
	v2 =	vld [tilespmem:s20+$0xFFFFFFD0];
	v0 =	vmul.f32 v1, v0  }
0xb9: {  	v1 =	vmul.f32 v4, v6;
	v4 =	vld [tilespmem:s10+$0xFFFFFFD0]  }
0xba: {  	[tilespmem:s20+$0x40] =	vst v0;
	v0 =	vld [tilespmem:s20+$0x50]  }
0xbb: {  	[tilespmem:s20+$0xFFFFFF40] =	vst v1;
	v1 =	vld [tilespmem:s10+$0x50];
	v3 =	vmul.f32 v5, v3  }
0xbc: {  	v5 =	vld [tilespmem:s10+$0xFFFFFF50]  }
0xbd: {  	[tilespmem:s20+$0xD0] =	vst v3;
	v3 =	vld [tilespmem:s20+$0xE0]  }
0xbe: {  	v2 =	vmul.f32 v4, v2;
	v4 =	vld [tilespmem:s10+$0xE0]  }
0xbf: {  	v6 =	vld [tilespmem:s20+$0xFFFFFF60]  }
0xc0: {  	[tilespmem:s20+$0xFFFFFFD0] =	vst v2;
	v2 =	vld [tilespmem:s20+$0xFFFFFFE0];
	v0 =	vmul.f32 v1, v0  }
0xc1: {  	v1 =	vmul.f32 v5, v7;
	v5 =	vld [tilespmem:s10+$0xFFFFFFE0]  }
0xc2: {  	[tilespmem:s20+$0x50] =	vst v0;
	v7 =	vld [tilespmem:s20+$0x60]  }
0xc3: {  	[tilespmem:s20+$0xFFFFFF50] =	vst v1;
	v8 =	vld [tilespmem:s10+$0x60];
	v0 =	vmul.f32 v4, v3  }
0xc4: {  	v3 =	vld [tilespmem:s10+$0xFFFFFF60]  }
0xc5: {  	[tilespmem:s20+$0xE0] =	vst v0;
	v9 =	vld [tilespmem:s20+$0xF0]  }
0xc6: {  	v1 =	vmul.f32 v5, v2;
	v5 =	vld [tilespmem:s10+$0xF0]  }
0xc7: {  	v0 =	vld [tilespmem:s20+$0xFFFFFF70]  }
.Ltmp2:
0xc8: {  	[tilespmem:s20+$0xFFFFFFE0] =	vst v1;
	v1 =	vld [tilespmem:s20+$0xFFFFFFF0];
	v2 =	vmul.f32 v8, v7;
	(pc) =	sbr.rel @p1 .LBB2_3-.Ltmp2, $4  }
0xc9: {  	v4 =	vmul.f32 v3, v6;
	v3 =	vld [tilespmem:s10+$0xFFFFFFF0]  }
0xca: {  	[tilespmem:s20+$0x60] =	vst v2;
	v2 =	vld [tilespmem:s20+$0x70]  }
0xcb: {  	[tilespmem:s20+$0xFFFFFF60] =	vst v4;
	v4 =	vld [tilespmem:s10+$0x70];
	v6 =	vmul.f32 v5, v9  }
0xcc: {  	s20 =	sadd.s32 $0x200, s20;
	v5 =	vld [tilespmem:s10+$0xFFFFFF70]  }
0xcd: {  	_ =	sdelay $0x1  }
0xce: {  	v1 =	vmul.f32 v3, v1  }
0xcf: {  	[tilespmem:s24+$0xF0] =	vst v6;
	v2 =	vmul.f32 v4, v2  }
0xd0: {  	[tilespmem:s24+$0xFFFFFFF0] =	vst v1;
	v0 =	vmul.f32 v5, v0  }
0xd1: {  	[tilespmem:s24+$0x70] =	vst v2  }
0xd2: {  	[tilespmem:s24+$0xFFFFFF70] =	vst v0  }
0xd3: {  	_ =	swait.ge [sflag:s15], $0x40  }
0xd4: {  	[sflag:s15] =	ssyncset.done $0x0  }
0xd5: {  	[sflag:s15] =	ssyncadd.s32 $0xFFFFFFC0  }
0xd6: {  	[spmem:s2] =	stream.indirect.scatter.add.f32 [tilespmem:s26], [sflag:$0x5], $0x80, s22, s25, $0xb8;
	[tilespmem:$0x1C200] =	vst v63  }
0xd7: {  	_ =	swait.ge [sflag:s16], $0x2000  }
0xd8: {  	[sflag:s16] =	ssyncset.done $0x0  }
0xd9: {  	p1 =	seq.s32 s17, $0x4D;
	[sflag:s16] =	ssyncadd.s32 $0xFFFFE000  }
0xda: {  	s8 =	sadd.s32 @!p1 s12, s19;
	_ =	swait.ge [sflag:s23], $0x2000  }
0xdb: {  	s10 =	sshll.u32 @!p1 s8, $0x3;
	[sflag:s23] =	ssyncset.done $0x0  }
0xdc: {  	s20 =	simm.s32 @!p1 $0x0;
	s19 =	sadd.s32 @!p1 s10, s13;
	[sflag:s23] =	ssyncadd.s32 $0xFFFFE000  }
0xdd: {  	[tilespmem:s20], [sflag:$0x1] =	stream.linear.gather @!p1 [hbm4b:s19+s20], $0x40, $0x38;
	[tilespmem:$0x1C200] =	vst v63  }
0xde: {  	s8 =	sshll.u32 @!p1 s8, $0xA;
	s10 =	sadd.s32 @!p1 s6, s10;
	s19 =	simm.s32 @!p1 $0x80  }
0xdf: {  	[tilespmem:s19], [sflag:$0x2] =	stream.linear.gather @!p1 [hbm4b:s10+s20], $0x40, $0x38;
	[tilespmem:$0x1C200] =	vst v63  }
0xe0: {  	s8 =	sadd.s32 @!p1 s5, s8;
	s10 =	simm.s32 @!p1 $0x2100  }
0xe1: {  	[tilespmem:s10], [sflag:$0x3] =	stream.linear.gather @!p1 [hbm4b:s8+s20], $0x2000, $0x38;
	[tilespmem:$0x1C200] =	vst v63  }
0xe2: {  	s8 =	simm.s32 @!p1 $0x1  }
0xe3: {  	_ =	swait.ge @!p1 [sflag:s8], $0x40  }
0xe4: {  	[sflag:s8] =	ssyncset.done @!p1 $0x0  }
0xe5: {  	s10 =	simm.s32 @!p1 $0x100;
	[sflag:s8] =	ssyncadd.s32 @!p1 $0xFFFFFFC0;
	s8 =	simm.s32 @!p1 $0x40  }
0xe6: {  	[tilespmem:s10], [sflag:$0x4] =	stream.indirect.gather @!p1 [hbm4b:s1+s8], $0x80, s20, s8, $0xb8;
	[tilespmem:$0x1C200] =	vst v63  }
0xe7: {  	_ =	swait.ge [sflag:s7], $0x2000  }
0xe8: {  	[sflag:s7] =	ssyncset.done $0x0  }
0xe9: {  	s19 =	simm.s32 $0x4300;
	[sflag:s7] =	ssyncadd.s32 $0xFFFFE000  }
0xea: {  	s24 =	simm.s32 $0x6300;
	v0 =	vld [tilespmem:s19+$0x80]  }
0xeb: {  	v1 =	vld [tilespmem:s24+$0x80]  }
0xec: {  	v2 =	vld [tilespmem:s19+$0xFFFFFF80]  }
0xed: {  	v3 =	vld [tilespmem:s24+$0xFFFFFF80]  }
0xee: {  	v4 =	vld [tilespmem:s19+$0x0]  }
0xef: {  	v5 =	vld [tilespmem:s24+$0x0]  }
0xf0: {  	v6 =	vld [tilespmem:s19+$0xFFFFFF00];
	v0 =	vmul.f32 v1, v0  }
0xf1: {  	v1 =	vld [tilespmem:s24+$0xFFFFFF00]  }
0xf2: {  	[tilespmem:s19+$0x80] =	vst v0;
	v0 =	vld [tilespmem:s19+$0x90]  }
0xf3: {  	v2 =	vmul.f32 v3, v2;
	v3 =	vld [tilespmem:s24+$0x90]  }
0xf4: {  	v7 =	vld [tilespmem:s19+$0xFFFFFF10]  }
0xf5: {  	[tilespmem:s19+$0xFFFFFF80] =	vst v2;
	v2 =	vmul.f32 v5, v4;
	v4 =	vld [tilespmem:s19+$0xFFFFFF90]  }
0xf6: {  	v5 =	vld [tilespmem:s24+$0xFFFFFF90];
	v1 =	vmul.f32 v1, v6  }
0xf7: {  	[tilespmem:s19+$0x0] =	vst v2;
	v2 =	vld [tilespmem:s19+$0x10]  }
0xf8: {  	v6 =	vld [tilespmem:s24+$0x10];
	[tilespmem:s19+$0xFFFFFF00] =	vst v1;
	v0 =	vmul.f32 v3, v0  }
0xf9: {  	v1 =	vld [tilespmem:s24+$0xFFFFFF10]  }
0xfa: {  	[tilespmem:s19+$0x90] =	vst v0;
	v0 =	vld [tilespmem:s19+$0xA0]  }
0xfb: {  	v3 =	vmul.f32 v5, v4;
	v4 =	vld [tilespmem:s24+$0xA0]  }
0xfc: {  	v5 =	vld [tilespmem:s19+$0xFFFFFF20]  }
0xfd: {  	[tilespmem:s19+$0xFFFFFF90] =	vst v3;
	v2 =	vmul.f32 v6, v2;
	v3 =	vld [tilespmem:s19+$0xFFFFFFA0]  }
0xfe: {  	v6 =	vld [tilespmem:s24+$0xFFFFFFA0];
	v1 =	vmul.f32 v1, v7  }
0xff: {  	[tilespmem:s19+$0x10] =	vst v2;
	v2 =	vld [tilespmem:s19+$0x20]  }
0x100: {  	v7 =	vld [tilespmem:s24+$0x20];
	[tilespmem:s19+$0xFFFFFF10] =	vst v1;
	v0 =	vmul.f32 v4, v0  }
0x101: {  	v1 =	vld [tilespmem:s24+$0xFFFFFF20]  }
0x102: {  	[tilespmem:s19+$0xA0] =	vst v0;
	v0 =	vld [tilespmem:s19+$0xB0]  }
0x103: {  	v3 =	vmul.f32 v6, v3;
	v4 =	vld [tilespmem:s24+$0xB0]  }
0x104: {  	v6 =	vld [tilespmem:s19+$0xFFFFFF30]  }
0x105: {  	[tilespmem:s19+$0xFFFFFFA0] =	vst v3;
	v2 =	vmul.f32 v7, v2;
	v3 =	vld [tilespmem:s19+$0xFFFFFFB0]  }
0x106: {  	v7 =	vld [tilespmem:s24+$0xFFFFFFB0];
	v1 =	vmul.f32 v1, v5  }
0x107: {  	[tilespmem:s19+$0x20] =	vst v2;
	v2 =	vld [tilespmem:s19+$0x30]  }
0x108: {  	v5 =	vld [tilespmem:s24+$0x30];
	[tilespmem:s19+$0xFFFFFF20] =	vst v1;
	v0 =	vmul.f32 v4, v0  }
0x109: {  	v1 =	vld [tilespmem:s24+$0xFFFFFF30]  }
0x10a: {  	[tilespmem:s19+$0xB0] =	vst v0;
	v0 =	vld [tilespmem:s19+$0xC0]  }
0x10b: {  	v3 =	vmul.f32 v7, v3;
	v4 =	vld [tilespmem:s24+$0xC0]  }
0x10c: {  	v7 =	vld [tilespmem:s19+$0xFFFFFF40]  }
0x10d: {  	[tilespmem:s19+$0xFFFFFFB0] =	vst v3;
	v2 =	vmul.f32 v5, v2;
	v3 =	vld [tilespmem:s19+$0xFFFFFFC0]  }
0x10e: {  	v5 =	vld [tilespmem:s24+$0xFFFFFFC0];
	v1 =	vmul.f32 v1, v6  }
0x10f: {  	[tilespmem:s19+$0x30] =	vst v2;
	v2 =	vld [tilespmem:s19+$0x40]  }
0x110: {  	v6 =	vld [tilespmem:s24+$0x40];
	[tilespmem:s19+$0xFFFFFF30] =	vst v1;
	v0 =	vmul.f32 v4, v0  }
0x111: {  	v1 =	vld [tilespmem:s24+$0xFFFFFF40]  }
0x112: {  	[tilespmem:s19+$0xC0] =	vst v0;
	v0 =	vld [tilespmem:s19+$0xD0]  }
0x113: {  	v3 =	vmul.f32 v5, v3;
	v4 =	vld [tilespmem:s24+$0xD0]  }
0x114: {  	v5 =	vld [tilespmem:s19+$0xFFFFFF50]  }
0x115: {  	[tilespmem:s19+$0xFFFFFFC0] =	vst v3;
	v2 =	vmul.f32 v6, v2;
	v3 =	vld [tilespmem:s19+$0xFFFFFFD0]  }
0x116: {  	v6 =	vld [tilespmem:s24+$0xFFFFFFD0];
	v1 =	vmul.f32 v1, v7  }
0x117: {  	[tilespmem:s19+$0x40] =	vst v2;
	v2 =	vld [tilespmem:s19+$0x50]  }
0x118: {  	v7 =	vld [tilespmem:s24+$0x50];
	[tilespmem:s19+$0xFFFFFF40] =	vst v1;
	v0 =	vmul.f32 v4, v0  }
0x119: {  	v1 =	vld [tilespmem:s24+$0xFFFFFF50]  }
0x11a: {  	[tilespmem:s19+$0xD0] =	vst v0;
	v0 =	vld [tilespmem:s19+$0xE0]  }
0x11b: {  	v3 =	vmul.f32 v6, v3;
	v4 =	vld [tilespmem:s24+$0xE0]  }
0x11c: {  	v6 =	vld [tilespmem:s19+$0xFFFFFF60]  }
0x11d: {  	[tilespmem:s19+$0xFFFFFFD0] =	vst v3;
	v2 =	vmul.f32 v7, v2;
	v3 =	vld [tilespmem:s19+$0xFFFFFFE0]  }
0x11e: {  	v7 =	vld [tilespmem:s24+$0xFFFFFFE0];
	v1 =	vmul.f32 v1, v5  }
0x11f: {  	[tilespmem:s19+$0x50] =	vst v2;
	v2 =	vld [tilespmem:s19+$0x60]  }
0x120: {  	v5 =	vld [tilespmem:s24+$0x60];
	[tilespmem:s19+$0xFFFFFF50] =	vst v1;
	v0 =	vmul.f32 v4, v0  }
0x121: {  	v4 =	vld [tilespmem:s24+$0xFFFFFF60]  }
0x122: {  	v8 =	vld [tilespmem:s19+$0xF0];
	[tilespmem:s19+$0xE0] =	vst v0  }
0x123: {  	v1 =	vmul.f32 v7, v3;
	v7 =	vld [tilespmem:s24+$0xF0]  }
0x124: {  	v0 =	vld [tilespmem:s19+$0xFFFFFF70]  }
0x125: {  	[tilespmem:s19+$0xFFFFFFE0] =	vst v1;
	v2 =	vmul.f32 v5, v2;
	v1 =	vld [tilespmem:s19+$0xFFFFFFF0]  }
0x126: {  	v3 =	vld [tilespmem:s24+$0xFFFFFFF0];
	v4 =	vmul.f32 v4, v6  }
0x127: {  	[tilespmem:s19+$0x60] =	vst v2;
	v2 =	vld [tilespmem:s19+$0x70]  }
0x128: {  	[tilespmem:s19+$0xFFFFFF60] =	vst v4;
	v4 =	vld [tilespmem:s24+$0x70];
	v6 =	vmul.f32 v7, v8  }
0x129: {  	s17 =	sadd.s32 $0x1, s17;
	s8 =	simm.s32 $0x0;
	s10 =	simm.s32 $0x4500;
	v5 =	vld [tilespmem:s24+$0xFFFFFF70]  }
.LBB2_5:
0x12a: {  	v7 =	vld [tilespmem:s10+$0x80];
	[tilespmem:s19+$0xF0] =	vst v6;
	s24 =	sadd.s32 $0x200, s24  }
0x12b: {  	s8 =	sadd.s32 $0x4, s8;
	v6 =	vld [tilespmem:s24+$0x80];
	v1 =	vmul.f32 v3, v1  }
0x12c: {  	p1 =	slt.u32 s8, $0x3C;
	v3 =	vld [tilespmem:s24+$0xFFFFFF00]  }
0x12d: {  	v8 =	vld [tilespmem:s10+$0xFFFFFF80];
	[tilespmem:s19+$0xFFFFFFF0] =	vst v1;
	v1 =	vmul.f32 v4, v2  }
0x12e: {  	v2 =	vld [tilespmem:s24+$0xFFFFFF80];
	v0 =	vmul.f32 v5, v0  }
0x12f: {  	v4 =	vld [tilespmem:s10+$0x0];
	[tilespmem:s19+$0x70] =	vst v1  }
0x130: {  	v1 =	vld [tilespmem:s24+$0x0];
	v5 =	vmul.f32 v6, v7;
	[tilespmem:s19+$0xFFFFFF70] =	vst v0;
	s19 =	smov.u32 s10  }
0x131: {  	v0 =	vld [tilespmem:s10+$0xFFFFFF00]  }
0x132: {  	[tilespmem:s10+$0x80] =	vst v5;
	v5 =	vld [tilespmem:s10+$0x90]  }
0x133: {  	v2 =	vmul.f32 v2, v8;
	v6 =	vld [tilespmem:s24+$0x90]  }
0x134: {  	v7 =	vld [tilespmem:s10+$0xFFFFFF10]  }
0x135: {  	[tilespmem:s10+$0xFFFFFF80] =	vst v2;
	v2 =	vld [tilespmem:s10+$0xFFFFFF90];
	v1 =	vmul.f32 v1, v4  }
0x136: {  	v0 =	vmul.f32 v3, v0;
	v3 =	vld [tilespmem:s24+$0xFFFFFF90]  }
0x137: {  	[tilespmem:s10+$0x0] =	vst v1;
	v1 =	vld [tilespmem:s10+$0x10]  }
0x138: {  	[tilespmem:s10+$0xFFFFFF00] =	vst v0;
	v0 =	vld [tilespmem:s24+$0x10];
	v4 =	vmul.f32 v6, v5  }
0x139: {  	v5 =	vld [tilespmem:s24+$0xFFFFFF10]  }
0x13a: {  	[tilespmem:s10+$0x90] =	vst v4;
	v4 =	vld [tilespmem:s10+$0xA0]  }
0x13b: {  	v2 =	vmul.f32 v3, v2;
	v3 =	vld [tilespmem:s24+$0xA0]  }
0x13c: {  	v6 =	vld [tilespmem:s10+$0xFFFFFF20]  }
0x13d: {  	[tilespmem:s10+$0xFFFFFF90] =	vst v2;
	v2 =	vld [tilespmem:s10+$0xFFFFFFA0];
	v0 =	vmul.f32 v0, v1  }
0x13e: {  	v1 =	vmul.f32 v5, v7;
	v5 =	vld [tilespmem:s24+$0xFFFFFFA0]  }
0x13f: {  	[tilespmem:s10+$0x10] =	vst v0;
	v0 =	vld [tilespmem:s10+$0x20]  }
0x140: {  	[tilespmem:s10+$0xFFFFFF10] =	vst v1;
	v1 =	vld [tilespmem:s24+$0x20];
	v3 =	vmul.f32 v3, v4  }
0x141: {  	v4 =	vld [tilespmem:s24+$0xFFFFFF20]  }
0x142: {  	[tilespmem:s10+$0xA0] =	vst v3;
	v3 =	vld [tilespmem:s10+$0xB0]  }
0x143: {  	v2 =	vmul.f32 v5, v2;
	v5 =	vld [tilespmem:s24+$0xB0]  }
0x144: {  	v7 =	vld [tilespmem:s10+$0xFFFFFF30]  }
0x145: {  	[tilespmem:s10+$0xFFFFFFA0] =	vst v2;
	v2 =	vld [tilespmem:s10+$0xFFFFFFB0];
	v0 =	vmul.f32 v1, v0  }
0x146: {  	v1 =	vmul.f32 v4, v6;
	v4 =	vld [tilespmem:s24+$0xFFFFFFB0]  }
0x147: {  	[tilespmem:s10+$0x20] =	vst v0;
	v0 =	vld [tilespmem:s10+$0x30]  }
0x148: {  	[tilespmem:s10+$0xFFFFFF20] =	vst v1;
	v1 =	vld [tilespmem:s24+$0x30];
	v3 =	vmul.f32 v5, v3  }
0x149: {  	v5 =	vld [tilespmem:s24+$0xFFFFFF30]  }
0x14a: {  	[tilespmem:s10+$0xB0] =	vst v3;
	v3 =	vld [tilespmem:s10+$0xC0]  }
0x14b: {  	v2 =	vmul.f32 v4, v2;
	v4 =	vld [tilespmem:s24+$0xC0]  }
0x14c: {  	v6 =	vld [tilespmem:s10+$0xFFFFFF40]  }
0x14d: {  	[tilespmem:s10+$0xFFFFFFB0] =	vst v2;
	v2 =	vld [tilespmem:s10+$0xFFFFFFC0];
	v0 =	vmul.f32 v1, v0  }
0x14e: {  	v1 =	vmul.f32 v5, v7;
	v5 =	vld [tilespmem:s24+$0xFFFFFFC0]  }
0x14f: {  	[tilespmem:s10+$0x30] =	vst v0;
	v0 =	vld [tilespmem:s10+$0x40]  }
0x150: {  	[tilespmem:s10+$0xFFFFFF30] =	vst v1;
	v1 =	vld [tilespmem:s24+$0x40];
	v3 =	vmul.f32 v4, v3  }
0x151: {  	v4 =	vld [tilespmem:s24+$0xFFFFFF40]  }
0x152: {  	[tilespmem:s10+$0xC0] =	vst v3;
	v3 =	vld [tilespmem:s10+$0xD0]  }
0x153: {  	v2 =	vmul.f32 v5, v2;
	v5 =	vld [tilespmem:s24+$0xD0]  }
0x154: {  	v7 =	vld [tilespmem:s10+$0xFFFFFF50]  }
0x155: {  	[tilespmem:s10+$0xFFFFFFC0] =	vst v2;
	v2 =	vld [tilespmem:s10+$0xFFFFFFD0];
	v0 =	vmul.f32 v1, v0  }
0x156: {  	v1 =	vmul.f32 v4, v6;
	v4 =	vld [tilespmem:s24+$0xFFFFFFD0]  }
0x157: {  	[tilespmem:s10+$0x40] =	vst v0;
	v0 =	vld [tilespmem:s10+$0x50]  }
0x158: {  	[tilespmem:s10+$0xFFFFFF40] =	vst v1;
	v1 =	vld [tilespmem:s24+$0x50];
	v3 =	vmul.f32 v5, v3  }
0x159: {  	v5 =	vld [tilespmem:s24+$0xFFFFFF50]  }
0x15a: {  	[tilespmem:s10+$0xD0] =	vst v3;
	v3 =	vld [tilespmem:s10+$0xE0]  }
0x15b: {  	v2 =	vmul.f32 v4, v2;
	v4 =	vld [tilespmem:s24+$0xE0]  }
0x15c: {  	v6 =	vld [tilespmem:s10+$0xFFFFFF60]  }
0x15d: {  	[tilespmem:s10+$0xFFFFFFD0] =	vst v2;
	v2 =	vld [tilespmem:s10+$0xFFFFFFE0];
	v0 =	vmul.f32 v1, v0  }
0x15e: {  	v1 =	vmul.f32 v5, v7;
	v5 =	vld [tilespmem:s24+$0xFFFFFFE0]  }
0x15f: {  	[tilespmem:s10+$0x50] =	vst v0;
	v7 =	vld [tilespmem:s10+$0x60]  }
0x160: {  	[tilespmem:s10+$0xFFFFFF50] =	vst v1;
	v8 =	vld [tilespmem:s24+$0x60];
	v0 =	vmul.f32 v4, v3  }
0x161: {  	v3 =	vld [tilespmem:s24+$0xFFFFFF60]  }
0x162: {  	[tilespmem:s10+$0xE0] =	vst v0;
	v9 =	vld [tilespmem:s10+$0xF0]  }
0x163: {  	v1 =	vmul.f32 v5, v2;
	v5 =	vld [tilespmem:s24+$0xF0]  }
0x164: {  	v0 =	vld [tilespmem:s10+$0xFFFFFF70]  }
.Ltmp3:
0x165: {  	[tilespmem:s10+$0xFFFFFFE0] =	vst v1;
	v1 =	vld [tilespmem:s10+$0xFFFFFFF0];
	v2 =	vmul.f32 v8, v7;
	(pc) =	sbr.rel @p1 .LBB2_5-.Ltmp3, $4  }
0x166: {  	v4 =	vmul.f32 v3, v6;
	v3 =	vld [tilespmem:s24+$0xFFFFFFF0]  }
0x167: {  	[tilespmem:s10+$0x60] =	vst v2;
	v2 =	vld [tilespmem:s10+$0x70]  }
0x168: {  	[tilespmem:s10+$0xFFFFFF60] =	vst v4;
	v4 =	vld [tilespmem:s24+$0x70];
	v6 =	vmul.f32 v5, v9  }
0x169: {  	s10 =	sadd.s32 $0x200, s10;
	v5 =	vld [tilespmem:s24+$0xFFFFFF70]  }
0x16a: {  	_ =	sdelay $0x1  }
0x16b: {  	v1 =	vmul.f32 v3, v1  }
0x16c: {  	[tilespmem:s19+$0xF0] =	vst v6;
	v2 =	vmul.f32 v4, v2  }
0x16d: {  	[tilespmem:s19+$0xFFFFFFF0] =	vst v1;
	v0 =	vmul.f32 v5, v0  }
0x16e: {  	p1 =	sne.s32 s17, $0x4E;
	[tilespmem:s19+$0x70] =	vst v2  }
.Ltmp4:
0x16f: {  	[tilespmem:s19+$0xFFFFFF70] =	vst v0;
	(pc) =	sbr.rel @p1 .LBB2_2-.Ltmp4, $4  }
0x170: {  	_ =	swait.ge [sflag:s9], $0x40  }
0x171: {  	[sflag:s9] =	ssyncset.done $0x0  }
0x172: {  	[sflag:s9] =	ssyncadd.s32 $0xFFFFFFC0  }
0x173: {  	[spmem:s2] =	stream.indirect.scatter.add.f32 [tilespmem:s4], [sflag:$0xA], $0x80, s29, s25, $0xb8;
	[tilespmem:$0x1C200] =	vst v63  }
.Ltmp5:
0x174: {  	(pc) =	sbr.rel @p0 .LBB2_11-.Ltmp5, $4  }
0x175: {  	s8 =	simm.s32 $0xA  }
0x176: {  	_ =	swait.ge [sflag:s8], $0x2000  }
0x177: {  	[sflag:s8] =	ssyncset.done $0x0  }
0x178: {  	[sflag:s8] =	ssyncadd.s32 $0xFFFFE000  }
0x179: {  	s8 =	simm.s32 $0x0;
	s10 =	rddreg [dreg:$0x9]  }
0x17a: {  	[tilespmem:s8], [sflag:$0xB] =	stream.linear.gather [hbm4b:s10+s8], $0x40, $0x38;
	[tilespmem:$0x1C200] =	vst v63  }
0x17b: {  	_ =	swait.ge [sflag:s21], $0x40  }
0x17c: {  	[sflag:s21] =	ssyncset.done $0x0  }
0x17d: {  	s20 =	rddreg [dreg:$0xa];
	[sflag:s21] =	ssyncadd.s32 $0xFFFFFFC0  }
0x17e: {  	[tilespmem:s22], [sflag:$0xB] =	stream.linear.gather [hbm4b:s20+s8], $0x40, $0x38;
	[tilespmem:$0x1C200] =	vst v63  }
0x17f: {  	_ =	swait.ge [sflag:s21], $0x40  }
0x180: {  	[sflag:s21] =	ssyncset.done $0x0  }
0x181: {  	s17 =	simm.s32 $0x2100;
	s24 =	rddreg [dreg:$0xb];
	[sflag:s21] =	ssyncadd.s32 $0xFFFFFFC0  }
0x182: {  	[tilespmem:s17], [sflag:$0xB] =	stream.linear.gather [hbm4b:s24+s8], $0x2000, $0x38;
	[tilespmem:$0x1C200] =	vst v63  }
0x183: {  	_ =	swait.ge [sflag:s21], $0x2000  }
0x184: {  	[sflag:s21] =	ssyncset.done $0x0  }
0x185: {  	[sflag:s21] =	ssyncadd.s32 $0xFFFFE000  }
0x186: {  	[tilespmem:s26], [sflag:$0x4] =	stream.indirect.gather [hbm4b:s1+s25], $0x80, s8, s25, $0xb8;
	[tilespmem:$0x1C200] =	vst v63  }
0x187: {  	_ =	swait.ge [sflag:s31], $0x2000  }
0x188: {  	[sflag:s31] =	ssyncset.done $0x0  }
0x189: {  	s8 =	simm.s32 $0x0;
	[sflag:s31] =	ssyncadd.s32 $0xFFFFE000  }
0x18a: {  	v7 =	vld [tilespmem:s8+$0x2100]  }
0x18b: {  	v11 =	vld [tilespmem:s8+$0x2110]  }
0x18c: {  	v5 =	vld [tilespmem:s8+$0x2120]  }
0x18d: {  	v4 =	vld [tilespmem:s8+$0x2130]  }
0x18e: {  	v3 =	vld [tilespmem:s8+$0x2140]  }
0x18f: {  	v2 =	vld [tilespmem:s8+$0x2150]  }
0x190: {  	v1 =	vld [tilespmem:s8+$0x2160]  }
0x191: {  	v0 =	vld [tilespmem:s8+$0x2170]  }
0x192: {  	v12 =	vld [tilespmem:s8+$0x100]  }
0x193: {  	v13 =	vld [tilespmem:s8+$0x110]  }
0x194: {  	v10 =	vld [tilespmem:s8+$0x120]  }
0x195: {  	v9 =	vld [tilespmem:s8+$0x130]  }
0x196: {  	v8 =	vld [tilespmem:s8+$0x140]  }
0x197: {  	v6 =	vld [tilespmem:s8+$0x150];
	v12 =	vmul.f32 v7, v12  }
0x198: {  	s10 =	simm.s32 $0x200;
	v11 =	vmul.f32 v11, v13;
	v7 =	vld [tilespmem:s8+$0x160]  }
.LBB2_9:
0x199: {  	s17 =	sshra.s32 s10, $0x2;
	p1 =	sne.s32 s10, $0x7E00;
	[tilespmem:s8+$0x100] =	vst v12;
	v5 =	vmul.f32 v5, v10;
	v10 =	vld [tilespmem:s8+$0x170]  }
0x19a: {  	v12 =	vld [tilespmem:s17+$0x2100];
	[tilespmem:s8+$0x110] =	vst v11;
	v4 =	vmul.f32 v4, v9  }
0x19b: {  	v11 =	vld [tilespmem:s17+$0x2110];
	[tilespmem:s8+$0x120] =	vst v5;
	v3 =	vmul.f32 v3, v8  }
0x19c: {  	v5 =	vld [tilespmem:s17+$0x2120];
	[tilespmem:s8+$0x130] =	vst v4;
	v2 =	vmul.f32 v2, v6  }
0x19d: {  	v4 =	vld [tilespmem:s17+$0x2130];
	[tilespmem:s8+$0x140] =	vst v3;
	v1 =	vmul.f32 v1, v7  }
0x19e: {  	v3 =	vld [tilespmem:s17+$0x2140];
	[tilespmem:s8+$0x150] =	vst v2;
	v0 =	vmul.f32 v0, v10  }
0x19f: {  	v2 =	vld [tilespmem:s17+$0x2150];
	[tilespmem:s8+$0x160] =	vst v1  }
0x1a0: {  	v1 =	vld [tilespmem:s17+$0x2160];
	[tilespmem:s8+$0x170] =	vst v0;
	s8 =	smov.u32 s17  }
0x1a1: {  	v0 =	vld [tilespmem:s8+$0x2170]  }
0x1a2: {  	v6 =	vld [tilespmem:s8+$0x100]  }
0x1a3: {  	v7 =	vld [tilespmem:s8+$0x110]  }
.Ltmp6:
0x1a4: {  	v10 =	vld [tilespmem:s8+$0x120];
	(pc) =	sbr.rel @p1 .LBB2_9-.Ltmp6, $4  }
0x1a5: {  	v9 =	vld [tilespmem:s8+$0x130]  }
0x1a6: {  	v8 =	vld [tilespmem:s8+$0x140]  }
0x1a7: {  	v12 =	vmul.f32 v12, v6;
	v6 =	vld [tilespmem:s8+$0x150]  }
0x1a8: {  	s10 =	sadd.s32 $0x200, s10;
	v11 =	vmul.f32 v11, v7;
	v7 =	vld [tilespmem:s8+$0x160]  }
0x1a9: {  	[tilespmem:s8+$0x100] =	vst v12;
	v5 =	vmul.f32 v5, v10;
	v63 =	vld [tilespmem:s8+$0x170]  }
0x1aa: {  	[tilespmem:s8+$0x110] =	vst v11;
	v4 =	vmul.f32 v4, v9  }
0x1ab: {  	[tilespmem:s8+$0x120] =	vst v5;
	v3 =	vmul.f32 v3, v8  }
0x1ac: {  	[tilespmem:s8+$0x130] =	vst v4;
	v2 =	vmul.f32 v2, v6  }
0x1ad: {  	[tilespmem:s8+$0x140] =	vst v3;
	v1 =	vmul.f32 v1, v7  }
0x1ae: {  	[tilespmem:s8+$0x150] =	vst v2;
	v0 =	vmul.f32 v0, v63  }
0x1af: {  	[tilespmem:s8+$0x160] =	vst v1  }
.Ltmp7:
0x1b0: {  	[tilespmem:s8+$0x170] =	vst v0;
	(pc) =	sbr.rel .LBB2_11-.Ltmp7, $4  }
0x1b1: {  	[spmem:s2] =	stream.indirect.scatter.add.f32 [tilespmem:s26], [sflag:$0xB], $0x80, s22, s25, $0xb8;
	[tilespmem:$0x1C200] =	vst v63  }
0x1b2: {  	_ =	swait.ge [sflag:s21], $0x2000  }
0x1b3: {  	[sflag:s21] =	ssyncset.done $0x0  }
0x1b4: {  	[sflag:s21] =	ssyncadd.s32 $0xFFFFE000  }
.LBB2_12:
0x1b5: {  	_ =	sfence.sel $0x180000  }
0x1b6: {  	[bflag:$0x0] =	sbarrier.arrive $0xFFFF  }
0x1b7: {  	_ =	strace $0x90000047  }
0x1b8: {  	s0 =	stileid.u32;
	[bflag:$0x2] =	sbarrier.arrive $0xFFFF  }
0x1b9: {  	p0 =	sne.s32 s0, $0x0;
	s0 =	rddreg [dreg:$0x3]  }
0x1ba: {  	s0 =	sadd.s32 @!p0 $0x100000, s0  }
0x1bb: {  	[sflag:s0] =	ssyncadd.tile.s32 @!p0 $0x1;
	_ =	shalt  }
.Lfunc_end2:
_tile_overlayer_lowered:
.L_overlay_start_2:
0x1bc: {  	(tag) =	ssettag $0x2  }
0x1bd: {  	s0 =	rddreg [dreg:$0x0];
	s2 =	stileid.u32  }
0x1be: {  	s1 =	rddreg [dreg:$0x1];
	p0 =	sne.s32 s2, $0x0  }
0x1bf: {  	s3 =	rddreg [dreg:$0x2];
	[bflag:$0x3] =	sbarrier.arrive $0xFFFF;
	s2 =	simm.s32 @!p0 $0x1C0B  }
0x1c0: {  	[timem:s3], [sflag:s2] =	dma.local @!p0 [hbm:s0], s1  }
0x1c1: {  	s0 =	simm.s32 @!p0 $0xB  }
0x1c2: {  	_ =	swait.ge @!p0 [sflag:s0], s1  }
0x1c3: {  	s1 =	ssub.s32 @!p0 $0x0, s1;
	[sflag:s0] =	ssyncset.done @!p0 $0x0  }
0x1c4: {  	[sflag:s0] =	ssyncadd.s32 @!p0 s1  }
0x1c5: {  	[bflag:$0x3] =	sbarrier.arrive $0xFFFF  }
0x1c6: {  	_ =	shalt  }

</sc_bundles>
